<compile_context>
chip_gen: v7x
topology: tpu7x:2x2x1
jax: 0.10.2.dev20260603
libtpu: 0.0.44.dev20260713+nightly
codegen_flags: <defaults>
</compile_context>

<pallas_src>
import dataclasses
import functools

import jax
import jax.numpy as jnp
import numpy as np
from jax import lax
from jax.experimental import pallas as pl
from jax.experimental.pallas import tpu as pltpu
from jax.experimental.pallas import tpu_sc as plsc

N_NODES = 10000
D_IN = 256
D_HID = 128
D_OUT = 256

NC = 2
NS = 16
CHUNK = 128

N_PAD = 10240
E_PAD = 163840
DUMMY = N_NODES

ROW_BLK = 2048
OUT_BLK = 2000
N_CHUNKS = E_PAD // (NC * NS) // CHUNK


def _vector_mesh():
    return plsc.VectorSubcoreMesh(core_axis_name="c", subcore_axis_name="s")


_SC_CP = pltpu.CompilerParams()
if "needs_layout_passes" in pltpu.CompilerParams.__dataclass_fields__:
    _SC_CP = dataclasses.replace(_SC_CP, needs_layout_passes=False)


def _sc_degree(ei3):

    NPT = N_PAD // NS

    @functools.partial(
        pl.kernel,
        mesh=_vector_mesh(),
        compiler_params=_SC_CP,
        out_type=jax.ShapeDtypeStruct((NC, N_PAD), jnp.float32),
        scratch_types=[
            pltpu.VMEM((N_CHUNKS, CHUNK), jnp.int32),
            pltpu.VMEM((N_PAD,), jnp.float32),
            pltpu.VMEM((NS, NPT), jnp.float32),
            pltpu.VMEM((NPT,), jnp.float32),
            pltpu.VMEM_SHARED((NS, N_PAD), jnp.float32),
        ],
    )
    def k(ei_h, out_h, dst_v, hist, red_v, sum_v, stage_sh):
        cid = lax.axis_index("c")
        sid = lax.axis_index("s")
        wid = cid * NS + sid
        pltpu.sync_copy(ei_h.at[1, wid], dst_v)

        zeros16 = jnp.zeros((16,), jnp.float32)

        @pl.loop(0, N_PAD // 128)
        def _(i):
            for t in range(8):
                hist[pl.ds(i * 128 + t * 16, 16)] = zeros16

        ones16 = jnp.ones((16,), jnp.float32)

        @pl.loop(0, N_CHUNKS)
        def _(j):
            for t in range(CHUNK // 16):
                idx = dst_v[j, pl.ds(t * 16, 16)]
                plsc.addupdate_scatter(hist, [idx], ones16)

        pltpu.sync_copy(hist, stage_sh.at[sid])
        plsc.subcore_barrier()
        pltpu.sync_copy(stage_sh.at[:, pl.ds(sid * NPT, NPT)], red_v)

        @pl.loop(0, NPT // 16)
        def _(g):
            acc = zeros16
            for s in range(NS):
                acc = acc + red_v[s, pl.ds(g * 16, 16)]
            sum_v[pl.ds(g * 16, 16)] = acc

        pltpu.sync_copy(sum_v, out_h.at[cid, pl.ds(sid * NPT, NPT)])

    return k(ei3)


def _sc_edge_pass(table, ei3, zeros_hbm):

    @functools.partial(
        pl.kernel,
        mesh=_vector_mesh(),
        out_type=jax.ShapeDtypeStruct((NC, N_PAD, D_HID), jnp.float32),
        scratch_types=[
            pltpu.VMEM((N_CHUNKS, CHUNK), jnp.int32),
            pltpu.VMEM((N_CHUNKS, CHUNK), jnp.int32),
            pltpu.VMEM((CHUNK, D_HID), jnp.float32),
            pltpu.VMEM((CHUNK, D_HID), jnp.float32),
            pltpu.VMEM_SHARED((N_PAD, D_HID), jnp.float32),
            pltpu.SemaphoreType.DMA,
            pltpu.SemaphoreType.DMA,
        ],
    )
    def k(tab_h, ei_h, zeros_h, out_h, src_v, dst_v, rows0, rows1,
          acc_sh, sem0, sem1):
        cid = lax.axis_index("c")
        sid = lax.axis_index("s")
        wid = cid * NS + sid
        rpt = N_PAD // NS
        pltpu.sync_copy(zeros_h.at[pl.ds(sid * rpt, rpt)],
                        acc_sh.at[pl.ds(sid * rpt, rpt)])
        pltpu.sync_copy(ei_h.at[0, wid], src_v)
        pltpu.sync_copy(ei_h.at[1, wid], dst_v)
        plsc.subcore_barrier()

        pltpu.async_copy(tab_h.at[src_v.at[0]], rows0, sem0)

        @pl.loop(0, N_CHUNKS - 2, step=2)
        def _(j):
            pltpu.async_copy(tab_h.at[src_v.at[j + 1]], rows1, sem1)
            pltpu.make_async_copy(tab_h.at[src_v.at[j]], rows0, sem0).wait()
            pltpu.sync_copy(rows0, acc_sh.at[dst_v.at[j]], add=True)
            pltpu.async_copy(tab_h.at[src_v.at[j + 2]], rows0, sem0)
            pltpu.make_async_copy(tab_h.at[src_v.at[j + 1]], rows1,
                                  sem1).wait()
            pltpu.sync_copy(rows1, acc_sh.at[dst_v.at[j + 1]], add=True)

        pltpu.async_copy(tab_h.at[src_v.at[N_CHUNKS - 1]], rows1, sem1)
        pltpu.make_async_copy(tab_h.at[src_v.at[N_CHUNKS - 2]], rows0,
                              sem0).wait()
        pltpu.sync_copy(rows0, acc_sh.at[dst_v.at[N_CHUNKS - 2]], add=True)
        pltpu.make_async_copy(tab_h.at[src_v.at[N_CHUNKS - 1]], rows1,
                              sem1).wait()
        pltpu.sync_copy(rows1, acc_sh.at[dst_v.at[N_CHUNKS - 1]], add=True)

        plsc.subcore_barrier()
        pltpu.sync_copy(acc_sh.at[pl.ds(sid * rpt, rpt)],
                        out_h.at[cid, pl.ds(sid * rpt, rpt)])

    return k(table, ei3, zeros_hbm)


def _tc_mm0_scale(x_pad, W0, deg3):

    def body(x_ref, w_ref, dg_ref, h_ref, dis_ref):
        cntT = jnp.transpose(dg_ref[...])
        cnt = cntT[:, 0:1] + cntT[:, 1:2]
        dis = lax.rsqrt(cnt + 1.0)
        h = jnp.dot(x_ref[...], w_ref[...],
                    preferred_element_type=jnp.float32)
        h_ref[...] = h * dis
        dis_ref[...] = dis

    return pl.pallas_call(
        body,
        grid=(N_PAD // ROW_BLK,),
        in_specs=[
            pl.BlockSpec((ROW_BLK, D_IN), lambda i: (i, 0)),
            pl.BlockSpec((D_IN, D_HID), lambda i: (0, 0)),
            pl.BlockSpec((NC, ROW_BLK), lambda i: (0, i)),
        ],
        out_specs=[
            pl.BlockSpec((ROW_BLK, D_HID), lambda i: (i, 0)),
            pl.BlockSpec((ROW_BLK, 1), lambda i: (i, 0)),
        ],
        out_shape=[
            jax.ShapeDtypeStruct((N_PAD, D_HID), jnp.float32),
            jax.ShapeDtypeStruct((N_PAD, 1), jnp.float32),
        ],
    )(x_pad, W0, deg3)


def _tc_mid(acc1, h0p, dis, b0):

    def body(acc_ref, h0_ref, dis_ref, b0_ref, out_ref):
        agg = acc_ref[0] + acc_ref[1] + h0_ref[...]
        dis = dis_ref[...]
        h1 = jnp.maximum(dis * agg + b0_ref[...], 0.0)
        out_ref[...] = h1 * dis

    return pl.pallas_call(
        body,
        grid=(N_PAD // ROW_BLK,),
        in_specs=[
            pl.BlockSpec((NC, ROW_BLK, D_HID), lambda i: (0, i, 0)),
            pl.BlockSpec((ROW_BLK, D_HID), lambda i: (i, 0)),
            pl.BlockSpec((ROW_BLK, 1), lambda i: (i, 0)),
            pl.BlockSpec((1, D_HID), lambda i: (0, 0)),
        ],
        out_specs=pl.BlockSpec((ROW_BLK, D_HID), lambda i: (i, 0)),
        out_shape=jax.ShapeDtypeStruct((N_PAD, D_HID), jnp.float32),
    )(acc1, h0p, dis, b0)


def _tc_post(acc2, g1, dis, W1, b1):

    def body(acc_ref, g_ref, dis_ref, w_ref, b1_ref, out_ref):
        agg2 = dis_ref[...] * (acc_ref[0] + acc_ref[1] + g_ref[...])
        out_ref[...] = jnp.dot(agg2, w_ref[...],
                               preferred_element_type=jnp.float32) \
            + b1_ref[...]

    return pl.pallas_call(
        body,
        grid=(N_NODES // OUT_BLK,),
        in_specs=[
            pl.BlockSpec((NC, OUT_BLK, D_HID), lambda i: (0, i, 0)),
            pl.BlockSpec((OUT_BLK, D_HID), lambda i: (i, 0)),
            pl.BlockSpec((OUT_BLK, 1), lambda i: (i, 0)),
            pl.BlockSpec((D_HID, D_OUT), lambda i: (0, 0)),
            pl.BlockSpec((1, D_OUT), lambda i: (0, 0)),
        ],
        out_specs=pl.BlockSpec((OUT_BLK, D_OUT), lambda i: (i, 0)),
        out_shape=jax.ShapeDtypeStruct((N_NODES, D_OUT), jnp.float32),
    )(acc2, g1, dis, W1, b1)


_ZEROS_FEAT = np.zeros((N_PAD, D_HID), dtype=np.float32)


def kernel(x, edge_index, W0, b0, W1, b1):
    pad_e = E_PAD - edge_index.shape[1]
    pad_idx = DUMMY + jnp.arange(pad_e, dtype=jnp.int32) % (N_PAD - N_NODES)
    pad2 = jnp.broadcast_to(pad_idx, (2, pad_e))
    ei3 = jnp.concatenate([edge_index, pad2], axis=1).reshape(
        2, NC * NS, N_CHUNKS, CHUNK)
    x_pad = jnp.pad(x, ((0, N_PAD - N_NODES), (0, 0)))

    zeros_feat = _ZEROS_FEAT

    deg3 = _sc_degree(ei3)
    h0p, dis = _tc_mm0_scale(x_pad, W0, deg3)
    acc1 = _sc_edge_pass(h0p, ei3, zeros_feat)
    g1 = _tc_mid(acc1, h0p, dis, b0.reshape(1, D_HID))
    acc2 = _sc_edge_pass(g1, ei3, zeros_feat)
    return _tc_post(acc2, g1, dis, W1, b1.reshape(1, D_OUT))

# --- scband reference (transcript-rebuilt; emitter-appended) ---
"""Pipeline reference for scband-gcn-37795712205278 (READ-ONLY COPY).

The authoritative reference and input builder live on the scoring server;
editing this copy changes nothing except your own understanding.
"""

import jax, jax.numpy as jnp
import numpy as np

N_NODES = 10000
E = 160000
D_IN = 256
D_HID = 128
D_OUT = 256


def setup_inputs(seed: int = 0) -> dict:
    key = jax.random.key(seed)
    ks = jax.random.split(key, 6)
    x = jax.random.normal(ks[0], (N_NODES, D_IN), dtype=jnp.float32)
    edge_index = jax.random.randint(ks[1], (2, E), 0, N_NODES, dtype=jnp.int32)
    W0 = jax.random.normal(ks[2], (D_IN, D_HID), dtype=jnp.float32) * (1.0 / np.sqrt(D_IN))
    b0 = jnp.zeros((D_HID,), dtype=jnp.float32)
    W1 = jax.random.normal(ks[3], (D_HID, D_OUT), dtype=jnp.float32) * (1.0 / np.sqrt(D_HID))
    b1 = jnp.zeros((D_OUT,), dtype=jnp.float32)
    return {"x": x, "edge_index": edge_index, "W0": W0, "b0": b0, "W1": W1, "b1": b1}


def _gcn_norm(edge_index, num_nodes, dtype):
    # add self loops, then symmetric normalization D^{-1/2} (A+I) D^{-1/2}
    src, dst = edge_index[0], edge_index[1]
    loop = jnp.arange(num_nodes, dtype=src.dtype)
    src = jnp.concatenate([src, loop])
    dst = jnp.concatenate([dst, loop])
    deg = jax.ops.segment_sum(jnp.ones_like(dst, dtype=dtype), dst, num_segments=num_nodes)
    deg_inv_sqrt = jnp.where(deg > 0, jax.lax.rsqrt(deg), 0.0)
    norm = deg_inv_sqrt[src] * deg_inv_sqrt[dst]
    return src, dst, norm


def _gcn_conv(x, W, b, src, dst, norm, num_nodes):
    h = x @ W
    msg = h[src] * norm[:, None]
    agg = jax.ops.segment_sum(msg, dst, num_segments=num_nodes)
    return agg + b


def reference(x, edge_index, W0, b0, W1, b1):
    num_nodes = x.shape[0]
    src, dst, norm = _gcn_norm(edge_index, num_nodes, x.dtype)
    h = _gcn_conv(x, W0, b0, src, dst, norm, num_nodes)
    h = jax.nn.relu(h)
    # dropout p=0.0 in eval mode -> no-op
    out = _gcn_conv(h, W1, b1, src, dst, norm, num_nodes)
    return out

if __name__ == "__main__":
    import jax
    _d = setup_inputs()
    print(jax.jit(kernel)(*tuple(_d.values())))

</pallas_src>

<mosaic_0001>
#map = affine_map<(d0, d1) -> (0, 0, 0, 0)>
#map1 = affine_map<(d0, d1) -> (0, 0)>
module attributes {stable_mosaic.version = 14 : i64} {
  func.func @k(%arg0: i32, %arg1: i32, %arg2: memref<2x32x40x128xi32, #tpu.memory_space<hbm>>, %arg3: memref<2x10240xf32, #tpu.memory_space<hbm>>, %arg4: memref<40x128xi32, #tpu.memory_space<vmem>>, %arg5: memref<10240xf32, #tpu.memory_space<vmem>>, %arg6: memref<16x640xf32, #tpu.memory_space<vmem>>, %arg7: memref<640xf32, #tpu.memory_space<vmem>>, %arg8: memref<16x10240xf32, #tpu.memory_space<vmem_shared>>) attributes {dimension_semantics = [#tpu.dimension_semantics<core_parallel>, #tpu.dimension_semantics<subcore_parallel>], iteration_bounds = array<i64: 2, 16>, scalar_prefetch = 0 : i64, scratch_operands = 5 : i64, tpu.core_type = #tpu.core_type<sc_vector_subcore>, window_params = [{transform_indices = #map}, {transform_indices = #map1}]} {
    %mul3A = arith.constant 16 : i32
    %mul3A_0 = arith.muli %arg0, %mul3A : i32
    %add3A = arith.addi %mul3A_0, %arg1 : i32
    %run_scoped3A = arith.constant 1 : i32
    "tpu.region"() ({
      %run_scoped3A_22 = tpu.sem_alloc : memref<!tpu.dma_semaphore, #tpu.memory_space<semaphore_mem>>
      %dma_start3A = arith.constant 0 : i32
      %dma_start3A_23 = arith.constant 0 : i32
      %dma_start3A_24 = tpu.memref_slice %arg2[%run_scoped3A, %add3A, %dma_start3A, %dma_start3A_23] : memref<2x32x40x128xi32, #tpu.memory_space<hbm>> -> memref<1x1x40x128xi32, #tpu.memory_space<hbm>>
      %dma_start3A_25 = tpu.memref_squeeze %dma_start3A_24 : memref<1x1x40x128xi32, #tpu.memory_space<hbm>> -> memref<40x128xi32, #tpu.memory_space<hbm>>
      %dma_start3A_26 = arith.constant 0 : i32
      %dma_start3A_27 = arith.constant 0 : i32
      %dma_start3A_28 = tpu.memref_slice %arg2[%run_scoped3A, %add3A, %dma_start3A_26, %dma_start3A_27] : memref<2x32x40x128xi32, #tpu.memory_space<hbm>> -> memref<1x1x40x128xi32, #tpu.memory_space<hbm>>
      %dma_start3A_29 = tpu.memref_squeeze %dma_start3A_28 : memref<1x1x40x128xi32, #tpu.memory_space<hbm>> -> memref<40x128xi32, #tpu.memory_space<hbm>>
      tpu.enqueue_dma source(%dma_start3A_29 : memref<40x128xi32, #tpu.memory_space<hbm>>) target(%arg4 : memref<40x128xi32, #tpu.memory_space<vmem>>) target_semaphore(%run_scoped3A_22 : memref<!tpu.dma_semaphore, #tpu.memory_space<semaphore_mem>>)
      %dma_wait3A = arith.constant 0 : i32
      %dma_wait3A_30 = arith.constant 0 : i32
      %dma_wait3A_31 = tpu.memref_slice %arg2[%run_scoped3A, %add3A, %dma_wait3A, %dma_wait3A_30] : memref<2x32x40x128xi32, #tpu.memory_space<hbm>> -> memref<1x1x40x128xi32, #tpu.memory_space<hbm>>
      %dma_wait3A_32 = tpu.memref_squeeze %dma_wait3A_31 : memref<1x1x40x128xi32, #tpu.memory_space<hbm>> -> memref<40x128xi32, #tpu.memory_space<hbm>>
      %dma_wait3A_33 = arith.constant 0 : i32
      %dma_wait3A_34 = arith.constant 0 : i32
      %dma_wait3A_35 = tpu.memref_slice %arg2[%run_scoped3A, %add3A, %dma_wait3A_33, %dma_wait3A_34] : memref<2x32x40x128xi32, #tpu.memory_space<hbm>> -> memref<1x1x40x128xi32, #tpu.memory_space<hbm>>
      %dma_wait3A_36 = tpu.memref_squeeze %dma_wait3A_35 : memref<1x1x40x128xi32, #tpu.memory_space<hbm>> -> memref<40x128xi32, #tpu.memory_space<hbm>>
      tpu.wait_dma2 semaphore(%run_scoped3A_22 : memref<!tpu.dma_semaphore, #tpu.memory_space<semaphore_mem>>) src(%dma_wait3A_36 : memref<40x128xi32, #tpu.memory_space<hbm>>) dst(%arg4 : memref<40x128xi32, #tpu.memory_space<vmem>>)
      tpu.yield
    }) : () -> ()
    %broadcast_in_dim3A = arith.constant 0.000000e+00 : f32
    %broadcast_in_dim3A_1 = vector.broadcast %broadcast_in_dim3A : f32 to vector<16xf32>
    %scan3A = arith.constant 0 : i32
    %scan3A_2 = arith.constant 80 : i32
    %scan3A_3 = arith.addi %scan3A, %scan3A_2 : i32
    %scan3A_4 = arith.constant 1 : i32
    scf.for %scan3A_22 = %scan3A to %scan3A_3 step %scan3A_4  : i32 {
      %mul3A_23 = arith.constant 1 : i32
      %mul3A_24 = arith.muli %scan3A_22, %mul3A_23 : i32
      %add3A_25 = arith.constant 0 : i32
      %add3A_26 = arith.addi %add3A_25, %mul3A_24 : i32
      %mul3A_27 = arith.constant 128 : i32
      %mul3A_28 = arith.muli %add3A_26, %mul3A_27 : i32
      %add3A_29 = arith.constant 0 : i32
      %add3A_30 = arith.addi %mul3A_28, %add3A_29 : i32
      %swap3A = arith.index_cast %add3A_30 : i32 to index
      %swap3A_31 = tpu.vector_load %arg5[%swap3A] {strides = array<i32>} : memref<10240xf32, #tpu.memory_space<vmem>>, vector<16xf32>,
      tpu.vector_store %arg5[%swap3A], %broadcast_in_dim3A_1 {strides = array<i32>} : memref<10240xf32, #tpu.memory_space<vmem>>, vector<16xf32>,
      %mul3A_32 = arith.constant 128 : i32
      %mul3A_33 = arith.muli %add3A_26, %mul3A_32 : i32
      %add3A_34 = arith.constant 16 : i32
      %add3A_35 = arith.addi %mul3A_33, %add3A_34 : i32
      %swap3A_36 = arith.index_cast %add3A_35 : i32 to index
      %swap3A_37 = tpu.vector_load %arg5[%swap3A_36] {strides = array<i32>} : memref<10240xf32, #tpu.memory_space<vmem>>, vector<16xf32>,
      tpu.vector_store %arg5[%swap3A_36], %broadcast_in_dim3A_1 {strides = array<i32>} : memref<10240xf32, #tpu.memory_space<vmem>>, vector<16xf32>,
      %mul3A_38 = arith.constant 128 : i32
      %mul3A_39 = arith.muli %add3A_26, %mul3A_38 : i32
      %add3A_40 = arith.constant 32 : i32
      %add3A_41 = arith.addi %mul3A_39, %add3A_40 : i32
      %swap3A_42 = arith.index_cast %add3A_41 : i32 to index
      %swap3A_43 = tpu.vector_load %arg5[%swap3A_42] {strides = array<i32>} : memref<10240xf32, #tpu.memory_space<vmem>>, vector<16xf32>,
      tpu.vector_store %arg5[%swap3A_42], %broadcast_in_dim3A_1 {strides = array<i32>} : memref<10240xf32, #tpu.memory_space<vmem>>, vector<16xf32>,
      %mul3A_44 = arith.constant 128 : i32
      %mul3A_45 = arith.muli %add3A_26, %mul3A_44 : i32
      %add3A_46 = arith.constant 48 : i32
      %add3A_47 = arith.addi %mul3A_45, %add3A_46 : i32
      %swap3A_48 = arith.index_cast %add3A_47 : i32 to index
      %swap3A_49 = tpu.vector_load %arg5[%swap3A_48] {strides = array<i32>} : memref<10240xf32, #tpu.memory_space<vmem>>, vector<16xf32>,
      tpu.vector_store %arg5[%swap3A_48], %broadcast_in_dim3A_1 {strides = array<i32>} : memref<10240xf32, #tpu.memory_space<vmem>>, vector<16xf32>,
      %mul3A_50 = arith.constant 128 : i32
      %mul3A_51 = arith.muli %add3A_26, %mul3A_50 : i32
      %add3A_52 = arith.constant 64 : i32
      %add3A_53 = arith.addi %mul3A_51, %add3A_52 : i32
      %swap3A_54 = arith.index_cast %add3A_53 : i32 to index
      %swap3A_55 = tpu.vector_load %arg5[%swap3A_54] {strides = array<i32>} : memref<10240xf32, #tpu.memory_space<vmem>>, vector<16xf32>,
      tpu.vector_store %arg5[%swap3A_54], %broadcast_in_dim3A_1 {strides = array<i32>} : memref<10240xf32, #tpu.memory_space<vmem>>, vector<16xf32>,
      %mul3A_56 = arith.constant 128 : i32
      %mul3A_57 = arith.muli %add3A_26, %mul3A_56 : i32
      %add3A_58 = arith.constant 80 : i32
      %add3A_59 = arith.addi %mul3A_57, %add3A_58 : i32
      %swap3A_60 = arith.index_cast %add3A_59 : i32 to index
      %swap3A_61 = tpu.vector_load %arg5[%swap3A_60] {strides = array<i32>} : memref<10240xf32, #tpu.memory_space<vmem>>, vector<16xf32>,
      tpu.vector_store %arg5[%swap3A_60], %broadcast_in_dim3A_1 {strides = array<i32>} : memref<10240xf32, #tpu.memory_space<vmem>>, vector<16xf32>,
      %mul3A_62 = arith.constant 128 : i32
      %mul3A_63 = arith.muli %add3A_26, %mul3A_62 : i32
      %add3A_64 = arith.constant 96 : i32
      %add3A_65 = arith.addi %mul3A_63, %add3A_64 : i32
      %swap3A_66 = arith.index_cast %add3A_65 : i32 to index
      %swap3A_67 = tpu.vector_load %arg5[%swap3A_66] {strides = array<i32>} : memref<10240xf32, #tpu.memory_space<vmem>>, vector<16xf32>,
      tpu.vector_store %arg5[%swap3A_66], %broadcast_in_dim3A_1 {strides = array<i32>} : memref<10240xf32, #tpu.memory_space<vmem>>, vector<16xf32>,
      %mul3A_68 = arith.constant 128 : i32
      %mul3A_69 = arith.muli %add3A_26, %mul3A_68 : i32
      %add3A_70 = arith.constant 112 : i32
      %add3A_71 = arith.addi %mul3A_69, %add3A_70 : i32
      %swap3A_72 = arith.index_cast %add3A_71 : i32 to index
      %swap3A_73 = tpu.vector_load %arg5[%swap3A_72] {strides = array<i32>} : memref<10240xf32, #tpu.memory_space<vmem>>, vector<16xf32>,
      tpu.vector_store %arg5[%swap3A_72], %broadcast_in_dim3A_1 {strides = array<i32>} : memref<10240xf32, #tpu.memory_space<vmem>>, vector<16xf32>,
    }
    %scan3A_5 = arith.constant 80 : i32
    %broadcast_in_dim3A_6 = arith.constant 1.000000e+00 : f32
    %broadcast_in_dim3A_7 = vector.broadcast %broadcast_in_dim3A_6 : f32 to vector<16xf32>
    %scan3A_8 = arith.constant 0 : i32
    %scan3A_9 = arith.constant 40 : i32
    %scan3A_10 = arith.addi %scan3A_8, %scan3A_9 : i32
    %scan3A_11 = arith.constant 1 : i32
    scf.for %scan3A_22 = %scan3A_8 to %scan3A_10 step %scan3A_11  : i32 {
      %mul3A_23 = arith.constant 1 : i32
      %mul3A_24 = arith.muli %scan3A_22, %mul3A_23 : i32
      %add3A_25 = arith.constant 0 : i32
      %add3A_26 = arith.addi %add3A_25, %mul3A_24 : i32
      %get3A = arith.index_cast %add3A_26 : i32 to index
      %get3A_27 = arith.constant 0 : index
      %get3A_28 = tpu.vector_load %arg4[%get3A, %get3A_27] {strides = array<i32>} : memref<40x128xi32, #tpu.memory_space<vmem>>, vector<16xi32>,
      tpu.vector_store_idx %arg5[%get3A_28], %broadcast_in_dim3A_7 {add = true} : memref<10240xf32, #tpu.memory_space<vmem>>[vector<16xi32>], vector<16xf32>,
      %get3A_29 = arith.index_cast %add3A_26 : i32 to index
      %get3A_30 = arith.constant 16 : index
      %get3A_31 = tpu.vector_load %arg4[%get3A_29, %get3A_30] {strides = array<i32>} : memref<40x128xi32, #tpu.memory_space<vmem>>, vector<16xi32>,
      tpu.vector_store_idx %arg5[%get3A_31], %broadcast_in_dim3A_7 {add = true} : memref<10240xf32, #tpu.memory_space<vmem>>[vector<16xi32>], vector<16xf32>,
      %get3A_32 = arith.index_cast %add3A_26 : i32 to index
      %get3A_33 = arith.constant 32 : index
      %get3A_34 = tpu.vector_load %arg4[%get3A_32, %get3A_33] {strides = array<i32>} : memref<40x128xi32, #tpu.memory_space<vmem>>, vector<16xi32>,
      tpu.vector_store_idx %arg5[%get3A_34], %broadcast_in_dim3A_7 {add = true} : memref<10240xf32, #tpu.memory_space<vmem>>[vector<16xi32>], vector<16xf32>,
      %get3A_35 = arith.index_cast %add3A_26 : i32 to index
      %get3A_36 = arith.constant 48 : index
      %get3A_37 = tpu.vector_load %arg4[%get3A_35, %get3A_36] {strides = array<i32>} : memref<40x128xi32, #tpu.memory_space<vmem>>, vector<16xi32>,
      tpu.vector_store_idx %arg5[%get3A_37], %broadcast_in_dim3A_7 {add = true} : memref<10240xf32, #tpu.memory_space<vmem>>[vector<16xi32>], vector<16xf32>,
      %get3A_38 = arith.index_cast %add3A_26 : i32 to index
      %get3A_39 = arith.constant 64 : index
      %get3A_40 = tpu.vector_load %arg4[%get3A_38, %get3A_39] {strides = array<i32>} : memref<40x128xi32, #tpu.memory_space<vmem>>, vector<16xi32>,
      tpu.vector_store_idx %arg5[%get3A_40], %broadcast_in_dim3A_7 {add = true} : memref<10240xf32, #tpu.memory_space<vmem>>[vector<16xi32>], vector<16xf32>,
      %get3A_41 = arith.index_cast %add3A_26 : i32 to index
      %get3A_42 = arith.constant 80 : index
      %get3A_43 = tpu.vector_load %arg4[%get3A_41, %get3A_42] {strides = array<i32>} : memref<40x128xi32, #tpu.memory_space<vmem>>, vector<16xi32>,
      tpu.vector_store_idx %arg5[%get3A_43], %broadcast_in_dim3A_7 {add = true} : memref<10240xf32, #tpu.memory_space<vmem>>[vector<16xi32>], vector<16xf32>,
      %get3A_44 = arith.index_cast %add3A_26 : i32 to index
      %get3A_45 = arith.constant 96 : index
      %get3A_46 = tpu.vector_load %arg4[%get3A_44, %get3A_45] {strides = array<i32>} : memref<40x128xi32, #tpu.memory_space<vmem>>, vector<16xi32>,
      tpu.vector_store_idx %arg5[%get3A_46], %broadcast_in_dim3A_7 {add = true} : memref<10240xf32, #tpu.memory_space<vmem>>[vector<16xi32>], vector<16xf32>,
      %get3A_47 = arith.index_cast %add3A_26 : i32 to index
      %get3A_48 = arith.constant 112 : index
      %get3A_49 = tpu.vector_load %arg4[%get3A_47, %get3A_48] {strides = array<i32>} : memref<40x128xi32, #tpu.memory_space<vmem>>, vector<16xi32>,
      tpu.vector_store_idx %arg5[%get3A_49], %broadcast_in_dim3A_7 {add = true} : memref<10240xf32, #tpu.memory_space<vmem>>[vector<16xi32>], vector<16xf32>,
    }
    %scan3A_12 = arith.constant 40 : i32
    "tpu.region"() ({
      %run_scoped3A_22 = tpu.sem_alloc : memref<!tpu.dma_semaphore, #tpu.memory_space<semaphore_mem>>
      %dma_start3A = arith.constant 0 : i32
      %dma_start3A_23 = tpu.memref_slice %arg8[%arg1, %dma_start3A] : memref<16x10240xf32, #tpu.memory_space<vmem_shared>> -> memref<1x10240xf32, #tpu.memory_space<vmem_shared>>
      %dma_start3A_24 = tpu.memref_squeeze %dma_start3A_23 : memref<1x10240xf32, #tpu.memory_space<vmem_shared>> -> memref<10240xf32, #tpu.memory_space<vmem_shared>>
      %dma_start3A_25 = arith.constant 0 : i32
      %dma_start3A_26 = tpu.memref_slice %arg8[%arg1, %dma_start3A_25] : memref<16x10240xf32, #tpu.memory_space<vmem_shared>> -> memref<1x10240xf32, #tpu.memory_space<vmem_shared>>
      %dma_start3A_27 = tpu.memref_squeeze %dma_start3A_26 : memref<1x10240xf32, #tpu.memory_space<vmem_shared>> -> memref<10240xf32, #tpu.memory_space<vmem_shared>>
      tpu.enqueue_dma source(%arg5 : memref<10240xf32, #tpu.memory_space<vmem>>) target(%dma_start3A_27 : memref<10240xf32, #tpu.memory_space<vmem_shared>>) target_semaphore(%run_scoped3A_22 : memref<!tpu.dma_semaphore, #tpu.memory_space<semaphore_mem>>)
      %dma_wait3A = arith.constant 0 : i32
      %dma_wait3A_28 = tpu.memref_slice %arg8[%arg1, %dma_wait3A] : memref<16x10240xf32, #tpu.memory_space<vmem_shared>> -> memref<1x10240xf32, #tpu.memory_space<vmem_shared>>
      %dma_wait3A_29 = tpu.memref_squeeze %dma_wait3A_28 : memref<1x10240xf32, #tpu.memory_space<vmem_shared>> -> memref<10240xf32, #tpu.memory_space<vmem_shared>>
      %dma_wait3A_30 = arith.constant 0 : i32
      %dma_wait3A_31 = tpu.memref_slice %arg8[%arg1, %dma_wait3A_30] : memref<16x10240xf32, #tpu.memory_space<vmem_shared>> -> memref<1x10240xf32, #tpu.memory_space<vmem_shared>>
      %dma_wait3A_32 = tpu.memref_squeeze %dma_wait3A_31 : memref<1x10240xf32, #tpu.memory_space<vmem_shared>> -> memref<10240xf32, #tpu.memory_space<vmem_shared>>
      tpu.wait_dma2 semaphore(%run_scoped3A_22 : memref<!tpu.dma_semaphore, #tpu.memory_space<semaphore_mem>>) src(%arg5 : memref<10240xf32, #tpu.memory_space<vmem>>) dst(%dma_wait3A_32 : memref<10240xf32, #tpu.memory_space<vmem_shared>>)
      tpu.yield
    }) : () -> ()
    %barrier3A = arith.constant 0 : index
    tpu.barrier barrier_id(%barrier3A)
    %mul3A_13 = arith.constant 640 : i32
    %mul3A_14 = arith.muli %arg1, %mul3A_13 : i32
    "tpu.region"() ({
      %run_scoped3A_22 = tpu.sem_alloc : memref<!tpu.dma_semaphore, #tpu.memory_space<semaphore_mem>>
      %dma_start3A = arith.constant 0 : i32
      %dma_start3A_23 = tpu.memref_slice %arg8[%dma_start3A, %mul3A_14] : memref<16x10240xf32, #tpu.memory_space<vmem_shared>> -> memref<16x640xf32, #tpu.memory_space<vmem_shared>>
      %dma_start3A_24 = arith.constant 0 : i32
      %dma_start3A_25 = tpu.memref_slice %arg8[%dma_start3A_24, %mul3A_14] : memref<16x10240xf32, #tpu.memory_space<vmem_shared>> -> memref<16x640xf32, #tpu.memory_space<vmem_shared>>
      tpu.enqueue_dma source(%dma_start3A_25 : memref<16x640xf32, #tpu.memory_space<vmem_shared>>) target(%arg6 : memref<16x640xf32, #tpu.memory_space<vmem>>) target_semaphore(%run_scoped3A_22 : memref<!tpu.dma_semaphore, #tpu.memory_space<semaphore_mem>>)
      %dma_wait3A = arith.constant 0 : i32
      %dma_wait3A_26 = tpu.memref_slice %arg8[%dma_wait3A, %mul3A_14] : memref<16x10240xf32, #tpu.memory_space<vmem_shared>> -> memref<16x640xf32, #tpu.memory_space<vmem_shared>>
      %dma_wait3A_27 = arith.constant 0 : i32
      %dma_wait3A_28 = tpu.memref_slice %arg8[%dma_wait3A_27, %mul3A_14] : memref<16x10240xf32, #tpu.memory_space<vmem_shared>> -> memref<16x640xf32, #tpu.memory_space<vmem_shared>>
      tpu.wait_dma2 semaphore(%run_scoped3A_22 : memref<!tpu.dma_semaphore, #tpu.memory_space<semaphore_mem>>) src(%dma_wait3A_28 : memref<16x640xf32, #tpu.memory_space<vmem_shared>>) dst(%arg6 : memref<16x640xf32, #tpu.memory_space<vmem>>)
      tpu.yield
    }) : () -> ()
    %scan3A_15 = arith.constant 0 : i32
    %scan3A_16 = arith.constant 40 : i32
    %scan3A_17 = arith.addi %scan3A_15, %scan3A_16 : i32
    %scan3A_18 = arith.constant 1 : i32
    scf.for %scan3A_22 = %scan3A_15 to %scan3A_17 step %scan3A_18  : i32 {
      %mul3A_23 = arith.constant 1 : i32
      %mul3A_24 = arith.muli %scan3A_22, %mul3A_23 : i32
      %add3A_25 = arith.constant 0 : i32
      %add3A_26 = arith.addi %add3A_25, %mul3A_24 : i32
      %mul3A_27 = arith.constant 16 : i32
      %mul3A_28 = arith.muli %add3A_26, %mul3A_27 : i32
      %get3A = arith.constant 0 : i32
      %get3A_29 = arith.index_cast %get3A : i32 to index
      %get3A_30 = arith.index_cast %mul3A_28 : i32 to index
      %get3A_31 = tpu.vector_load %arg6[%get3A_29, %get3A_30] {strides = array<i32>} : memref<16x640xf32, #tpu.memory_space<vmem>>, vector<16xf32>,
      %add3A_32 = arith.addf %broadcast_in_dim3A_1, %get3A_31 : vector<16xf32>
      %mul3A_33 = arith.constant 16 : i32
      %mul3A_34 = arith.muli %add3A_26, %mul3A_33 : i32
      %get3A_35 = arith.constant 1 : i32
      %get3A_36 = arith.index_cast %get3A_35 : i32 to index
      %get3A_37 = arith.index_cast %mul3A_34 : i32 to index
      %get3A_38 = tpu.vector_load %arg6[%get3A_36, %get3A_37] {strides = array<i32>} : memref<16x640xf32, #tpu.memory_space<vmem>>, vector<16xf32>,
      %add3A_39 = arith.addf %add3A_32, %get3A_38 : vector<16xf32>
      %mul3A_40 = arith.constant 16 : i32
      %mul3A_41 = arith.muli %add3A_26, %mul3A_40 : i32
      %get3A_42 = arith.constant 2 : i32
      %get3A_43 = arith.index_cast %get3A_42 : i32 to index
      %get3A_44 = arith.index_cast %mul3A_41 : i32 to index
      %get3A_45 = tpu.vector_load %arg6[%get3A_43, %get3A_44] {strides = array<i32>} : memref<16x640xf32, #tpu.memory_space<vmem>>, vector<16xf32>,
      %add3A_46 = arith.addf %add3A_39, %get3A_45 : vector<16xf32>
      %mul3A_47 = arith.constant 16 : i32
      %mul3A_48 = arith.muli %add3A_26, %mul3A_47 : i32
      %get3A_49 = arith.constant 3 : i32
      %get3A_50 = arith.index_cast %get3A_49 : i32 to index
      %get3A_51 = arith.index_cast %mul3A_48 : i32 to index
      %get3A_52 = tpu.vector_load %arg6[%get3A_50, %get3A_51] {strides = array<i32>} : memref<16x640xf32, #tpu.memory_space<vmem>>, vector<16xf32>,
      %add3A_53 = arith.addf %add3A_46, %get3A_52 : vector<16xf32>
      %mul3A_54 = arith.constant 16 : i32
      %mul3A_55 = arith.muli %add3A_26, %mul3A_54 : i32
      %get3A_56 = arith.constant 4 : i32
      %get3A_57 = arith.index_cast %get3A_56 : i32 to index
      %get3A_58 = arith.index_cast %mul3A_55 : i32 to index
      %get3A_59 = tpu.vector_load %arg6[%get3A_57, %get3A_58] {strides = array<i32>} : memref<16x640xf32, #tpu.memory_space<vmem>>, vector<16xf32>,
      %add3A_60 = arith.addf %add3A_53, %get3A_59 : vector<16xf32>
      %mul3A_61 = arith.constant 16 : i32
      %mul3A_62 = arith.muli %add3A_26, %mul3A_61 : i32
      %get3A_63 = arith.constant 5 : i32
      %get3A_64 = arith.index_cast %get3A_63 : i32 to index
      %get3A_65 = arith.index_cast %mul3A_62 : i32 to index
      %get3A_66 = tpu.vector_load %arg6[%get3A_64, %get3A_65] {strides = array<i32>} : memref<16x640xf32, #tpu.memory_space<vmem>>, vector<16xf32>,
      %add3A_67 = arith.addf %add3A_60, %get3A_66 : vector<16xf32>
      %mul3A_68 = arith.constant 16 : i32
      %mul3A_69 = arith.muli %add3A_26, %mul3A_68 : i32
      %get3A_70 = arith.constant 6 : i32
      %get3A_71 = arith.index_cast %get3A_70 : i32 to index
      %get3A_72 = arith.index_cast %mul3A_69 : i32 to index
      %get3A_73 = tpu.vector_load %arg6[%get3A_71, %get3A_72] {strides = array<i32>} : memref<16x640xf32, #tpu.memory_space<vmem>>, vector<16xf32>,
      %add3A_74 = arith.addf %add3A_67, %get3A_73 : vector<16xf32>
      %mul3A_75 = arith.constant 16 : i32
      %mul3A_76 = arith.muli %add3A_26, %mul3A_75 : i32
      %get3A_77 = arith.constant 7 : i32
      %get3A_78 = arith.index_cast %get3A_77 : i32 to index
      %get3A_79 = arith.index_cast %mul3A_76 : i32 to index
      %get3A_80 = tpu.vector_load %arg6[%get3A_78, %get3A_79] {strides = array<i32>} : memref<16x640xf32, #tpu.memory_space<vmem>>, vector<16xf32>,
      %add3A_81 = arith.addf %add3A_74, %get3A_80 : vector<16xf32>
      %mul3A_82 = arith.constant 16 : i32
      %mul3A_83 = arith.muli %add3A_26, %mul3A_82 : i32
      %get3A_84 = arith.constant 8 : i32
      %get3A_85 = arith.index_cast %get3A_84 : i32 to index
      %get3A_86 = arith.index_cast %mul3A_83 : i32 to index
      %get3A_87 = tpu.vector_load %arg6[%get3A_85, %get3A_86] {strides = array<i32>} : memref<16x640xf32, #tpu.memory_space<vmem>>, vector<16xf32>,
      %add3A_88 = arith.addf %add3A_81, %get3A_87 : vector<16xf32>
      %mul3A_89 = arith.constant 16 : i32
      %mul3A_90 = arith.muli %add3A_26, %mul3A_89 : i32
      %get3A_91 = arith.constant 9 : i32
      %get3A_92 = arith.index_cast %get3A_91 : i32 to index
      %get3A_93 = arith.index_cast %mul3A_90 : i32 to index
      %get3A_94 = tpu.vector_load %arg6[%get3A_92, %get3A_93] {strides = array<i32>} : memref<16x640xf32, #tpu.memory_space<vmem>>, vector<16xf32>,
      %add3A_95 = arith.addf %add3A_88, %get3A_94 : vector<16xf32>
      %mul3A_96 = arith.constant 16 : i32
      %mul3A_97 = arith.muli %add3A_26, %mul3A_96 : i32
      %get3A_98 = arith.constant 10 : i32
      %get3A_99 = arith.index_cast %get3A_98 : i32 to index
      %get3A_100 = arith.index_cast %mul3A_97 : i32 to index
      %get3A_101 = tpu.vector_load %arg6[%get3A_99, %get3A_100] {strides = array<i32>} : memref<16x640xf32, #tpu.memory_space<vmem>>, vector<16xf32>,
      %add3A_102 = arith.addf %add3A_95, %get3A_101 : vector<16xf32>
      %mul3A_103 = arith.constant 16 : i32
      %mul3A_104 = arith.muli %add3A_26, %mul3A_103 : i32
      %get3A_105 = arith.constant 11 : i32
      %get3A_106 = arith.index_cast %get3A_105 : i32 to index
      %get3A_107 = arith.index_cast %mul3A_104 : i32 to index
      %get3A_108 = tpu.vector_load %arg6[%get3A_106, %get3A_107] {strides = array<i32>} : memref<16x640xf32, #tpu.memory_space<vmem>>, vector<16xf32>,
      %add3A_109 = arith.addf %add3A_102, %get3A_108 : vector<16xf32>
      %mul3A_110 = arith.constant 16 : i32
      %mul3A_111 = arith.muli %add3A_26, %mul3A_110 : i32
      %get3A_112 = arith.constant 12 : i32
      %get3A_113 = arith.index_cast %get3A_112 : i32 to index
      %get3A_114 = arith.index_cast %mul3A_111 : i32 to index
      %get3A_115 = tpu.vector_load %arg6[%get3A_113, %get3A_114] {strides = array<i32>} : memref<16x640xf32, #tpu.memory_space<vmem>>, vector<16xf32>,
      %add3A_116 = arith.addf %add3A_109, %get3A_115 : vector<16xf32>
      %mul3A_117 = arith.constant 16 : i32
      %mul3A_118 = arith.muli %add3A_26, %mul3A_117 : i32
      %get3A_119 = arith.constant 13 : i32
      %get3A_120 = arith.index_cast %get3A_119 : i32 to index
      %get3A_121 = arith.index_cast %mul3A_118 : i32 to index
      %get3A_122 = tpu.vector_load %arg6[%get3A_120, %get3A_121] {strides = array<i32>} : memref<16x640xf32, #tpu.memory_space<vmem>>, vector<16xf32>,
      %add3A_123 = arith.addf %add3A_116, %get3A_122 : vector<16xf32>
      %mul3A_124 = arith.constant 16 : i32
      %mul3A_125 = arith.muli %add3A_26, %mul3A_124 : i32
      %get3A_126 = arith.constant 14 : i32
      %get3A_127 = arith.index_cast %get3A_126 : i32 to index
      %get3A_128 = arith.index_cast %mul3A_125 : i32 to index
      %get3A_129 = tpu.vector_load %arg6[%get3A_127, %get3A_128] {strides = array<i32>} : memref<16x640xf32, #tpu.memory_space<vmem>>, vector<16xf32>,
      %add3A_130 = arith.addf %add3A_123, %get3A_129 : vector<16xf32>
      %mul3A_131 = arith.constant 16 : i32
      %mul3A_132 = arith.muli %add3A_26, %mul3A_131 : i32
      %get3A_133 = arith.constant 15 : i32
      %get3A_134 = arith.index_cast %get3A_133 : i32 to index
      %get3A_135 = arith.index_cast %mul3A_132 : i32 to index
      %get3A_136 = tpu.vector_load %arg6[%get3A_134, %get3A_135] {strides = array<i32>} : memref<16x640xf32, #tpu.memory_space<vmem>>, vector<16xf32>,
      %add3A_137 = arith.addf %add3A_130, %get3A_136 : vector<16xf32>
      %mul3A_138 = arith.constant 16 : i32
      %mul3A_139 = arith.muli %add3A_26, %mul3A_138 : i32
      %swap3A = arith.index_cast %mul3A_139 : i32 to index
      %swap3A_140 = tpu.vector_load %arg7[%swap3A] {strides = array<i32>} : memref<640xf32, #tpu.memory_space<vmem>>, vector<16xf32>,
      tpu.vector_store %arg7[%swap3A], %add3A_137 {strides = array<i32>} : memref<640xf32, #tpu.memory_space<vmem>>, vector<16xf32>,
    }
    %scan3A_19 = arith.constant 40 : i32
    %mul3A_20 = arith.constant 640 : i32
    %mul3A_21 = arith.muli %arg1, %mul3A_20 : i32
    "tpu.region"() ({
      %run_scoped3A_22 = tpu.sem_alloc : memref<!tpu.dma_semaphore, #tpu.memory_space<semaphore_mem>>
      %dma_start3A = tpu.memref_slice %arg3[%arg0, %mul3A_21] : memref<2x10240xf32, #tpu.memory_space<hbm>> -> memref<1x640xf32, #tpu.memory_space<hbm>>
      %dma_start3A_23 = tpu.memref_squeeze %dma_start3A : memref<1x640xf32, #tpu.memory_space<hbm>> -> memref<640xf32, #tpu.memory_space<hbm>>
      %dma_start3A_24 = tpu.memref_slice %arg3[%arg0, %mul3A_21] : memref<2x10240xf32, #tpu.memory_space<hbm>> -> memref<1x640xf32, #tpu.memory_space<hbm>>
      %dma_start3A_25 = tpu.memref_squeeze %dma_start3A_24 : memref<1x640xf32, #tpu.memory_space<hbm>> -> memref<640xf32, #tpu.memory_space<hbm>>
      tpu.enqueue_dma source(%arg7 : memref<640xf32, #tpu.memory_space<vmem>>) target(%dma_start3A_25 : memref<640xf32, #tpu.memory_space<hbm>>) target_semaphore(%run_scoped3A_22 : memref<!tpu.dma_semaphore, #tpu.memory_space<semaphore_mem>>)
      %dma_wait3A = tpu.memref_slice %arg3[%arg0, %mul3A_21] : memref<2x10240xf32, #tpu.memory_space<hbm>> -> memref<1x640xf32, #tpu.memory_space<hbm>>
      %dma_wait3A_26 = tpu.memref_squeeze %dma_wait3A : memref<1x640xf32, #tpu.memory_space<hbm>> -> memref<640xf32, #tpu.memory_space<hbm>>
      %dma_wait3A_27 = tpu.memref_slice %arg3[%arg0, %mul3A_21] : memref<2x10240xf32, #tpu.memory_space<hbm>> -> memref<1x640xf32, #tpu.memory_space<hbm>>
      %dma_wait3A_28 = tpu.memref_squeeze %dma_wait3A_27 : memref<1x640xf32, #tpu.memory_space<hbm>> -> memref<640xf32, #tpu.memory_space<hbm>>
      tpu.wait_dma2 semaphore(%run_scoped3A_22 : memref<!tpu.dma_semaphore, #tpu.memory_space<semaphore_mem>>) src(%arg7 : memref<640xf32, #tpu.memory_space<vmem>>) dst(%dma_wait3A_28 : memref<640xf32, #tpu.memory_space<hbm>>)
      tpu.yield
    }) : () -> ()
    return
  }
}

#map = affine_map<(d0, d1) -> (0, 0)>
#map1 = affine_map<(d0, d1) -> (0, 0, 0, 0)>
#map2 = affine_map<(d0, d1) -> (0, 0, 0)>
module attributes {stable_mosaic.version = 14 : i64} {
  func.func @k(%arg0: i32, %arg1: i32, %arg2: memref<10240x128xf32, #tpu.memory_space<hbm>>, %arg3: memref<2x32x40x128xi32, #tpu.memory_space<hbm>>, %arg4: memref<10240x128xf32, #tpu.memory_space<hbm>>, %arg5: memref<2x10240x128xf32, #tpu.memory_space<hbm>>, %arg6: memref<40x128xi32, #tpu.memory_space<vmem>>, %arg7: memref<40x128xi32, #tpu.memory_space<vmem>>, %arg8: memref<128x128xf32, #tpu.memory_space<vmem>>, %arg9: memref<128x128xf32, #tpu.memory_space<vmem>>, %arg10: memref<10240x128xf32, #tpu.memory_space<vmem_shared>>, %arg11: memref<!tpu.dma_semaphore, #tpu.memory_space<semaphore_mem>>, %arg12: memref<!tpu.dma_semaphore, #tpu.memory_space<semaphore_mem>>) attributes {dimension_semantics = [#tpu.dimension_semantics<core_parallel>, #tpu.dimension_semantics<subcore_parallel>], iteration_bounds = array<i64: 2, 16>, scalar_prefetch = 0 : i64, scratch_operands = 7 : i64, tpu.core_type = #tpu.core_type<sc_vector_subcore>, window_params = [{transform_indices = #map}, {transform_indices = #map1}, {transform_indices = #map}, {transform_indices = #map2}]} {
    %mul3A = arith.constant 16 : i32
    %mul3A_0 = arith.muli %arg0, %mul3A : i32
    %add3A = arith.addi %mul3A_0, %arg1 : i32
    %mul3A_1 = arith.constant 640 : i32
    %mul3A_2 = arith.muli %arg1, %mul3A_1 : i32
    %mul3A_3 = arith.constant 640 : i32
    %mul3A_4 = arith.muli %arg1, %mul3A_3 : i32
    "tpu.region"() ({
      %run_scoped3A_43 = tpu.sem_alloc : memref<!tpu.dma_semaphore, #tpu.memory_space<semaphore_mem>>
      %dma_start3A_44 = arith.constant 0 : i32
      %dma_start3A_45 = tpu.memref_slice %arg10[%mul3A_4, %dma_start3A_44] : memref<10240x128xf32, #tpu.memory_space<vmem_shared>> -> memref<640x128xf32, #tpu.memory_space<vmem_shared>>
      %dma_start3A_46 = arith.constant 0 : i32
      %dma_start3A_47 = tpu.memref_slice %arg4[%mul3A_2, %dma_start3A_46] : memref<10240x128xf32, #tpu.memory_space<hbm>> -> memref<640x128xf32, #tpu.memory_space<hbm>>
      tpu.enqueue_dma source(%dma_start3A_47 : memref<640x128xf32, #tpu.memory_space<hbm>>) target(%dma_start3A_45 : memref<640x128xf32, #tpu.memory_space<vmem_shared>>) target_semaphore(%run_scoped3A_43 : memref<!tpu.dma_semaphore, #tpu.memory_space<semaphore_mem>>)
      %dma_wait3A_48 = arith.constant 0 : i32
      %dma_wait3A_49 = tpu.memref_slice %arg10[%mul3A_4, %dma_wait3A_48] : memref<10240x128xf32, #tpu.memory_space<vmem_shared>> -> memref<640x128xf32, #tpu.memory_space<vmem_shared>>
      %dma_wait3A_50 = arith.constant 0 : i32
      %dma_wait3A_51 = tpu.memref_slice %arg4[%mul3A_2, %dma_wait3A_50] : memref<10240x128xf32, #tpu.memory_space<hbm>> -> memref<640x128xf32, #tpu.memory_space<hbm>>
      tpu.wait_dma2 semaphore(%run_scoped3A_43 : memref<!tpu.dma_semaphore, #tpu.memory_space<semaphore_mem>>) src(%dma_wait3A_51 : memref<640x128xf32, #tpu.memory_space<hbm>>) dst(%dma_wait3A_49 : memref<640x128xf32, #tpu.memory_space<vmem_shared>>)
      tpu.yield
    }) : () -> ()
    %run_scoped3A = arith.constant 0 : i32
    "tpu.region"() ({
      %run_scoped3A_43 = tpu.sem_alloc : memref<!tpu.dma_semaphore, #tpu.memory_space<semaphore_mem>>
      %dma_start3A_44 = arith.constant 0 : i32
      %dma_start3A_45 = arith.constant 0 : i32
      %dma_start3A_46 = tpu.memref_slice %arg3[%run_scoped3A, %add3A, %dma_start3A_44, %dma_start3A_45] : memref<2x32x40x128xi32, #tpu.memory_space<hbm>> -> memref<1x1x40x128xi32, #tpu.memory_space<hbm>>
      %dma_start3A_47 = tpu.memref_squeeze %dma_start3A_46 : memref<1x1x40x128xi32, #tpu.memory_space<hbm>> -> memref<40x128xi32, #tpu.memory_space<hbm>>
      %dma_start3A_48 = arith.constant 0 : i32
      %dma_start3A_49 = arith.constant 0 : i32
      %dma_start3A_50 = tpu.memref_slice %arg3[%run_scoped3A, %add3A, %dma_start3A_48, %dma_start3A_49] : memref<2x32x40x128xi32, #tpu.memory_space<hbm>> -> memref<1x1x40x128xi32, #tpu.memory_space<hbm>>
      %dma_start3A_51 = tpu.memref_squeeze %dma_start3A_50 : memref<1x1x40x128xi32, #tpu.memory_space<hbm>> -> memref<40x128xi32, #tpu.memory_space<hbm>>
      tpu.enqueue_dma source(%dma_start3A_51 : memref<40x128xi32, #tpu.memory_space<hbm>>) target(%arg6 : memref<40x128xi32, #tpu.memory_space<vmem>>) target_semaphore(%run_scoped3A_43 : memref<!tpu.dma_semaphore, #tpu.memory_space<semaphore_mem>>)
      %dma_wait3A_52 = arith.constant 0 : i32
      %dma_wait3A_53 = arith.constant 0 : i32
      %dma_wait3A_54 = tpu.memref_slice %arg3[%run_scoped3A, %add3A, %dma_wait3A_52, %dma_wait3A_53] : memref<2x32x40x128xi32, #tpu.memory_space<hbm>> -> memref<1x1x40x128xi32, #tpu.memory_space<hbm>>
      %dma_wait3A_55 = tpu.memref_squeeze %dma_wait3A_54 : memref<1x1x40x128xi32, #tpu.memory_space<hbm>> -> memref<40x128xi32, #tpu.memory_space<hbm>>
      %dma_wait3A_56 = arith.constant 0 : i32
      %dma_wait3A_57 = arith.constant 0 : i32
      %dma_wait3A_58 = tpu.memref_slice %arg3[%run_scoped3A, %add3A, %dma_wait3A_56, %dma_wait3A_57] : memref<2x32x40x128xi32, #tpu.memory_space<hbm>> -> memref<1x1x40x128xi32, #tpu.memory_space<hbm>>
      %dma_wait3A_59 = tpu.memref_squeeze %dma_wait3A_58 : memref<1x1x40x128xi32, #tpu.memory_space<hbm>> -> memref<40x128xi32, #tpu.memory_space<hbm>>
      tpu.wait_dma2 semaphore(%run_scoped3A_43 : memref<!tpu.dma_semaphore, #tpu.memory_space<semaphore_mem>>) src(%dma_wait3A_59 : memref<40x128xi32, #tpu.memory_space<hbm>>) dst(%arg6 : memref<40x128xi32, #tpu.memory_space<vmem>>)
      tpu.yield
    }) : () -> ()
    %run_scoped3A_5 = arith.constant 1 : i32
    "tpu.region"() ({
      %run_scoped3A_43 = tpu.sem_alloc : memref<!tpu.dma_semaphore, #tpu.memory_space<semaphore_mem>>
      %dma_start3A_44 = arith.constant 0 : i32
      %dma_start3A_45 = arith.constant 0 : i32
      %dma_start3A_46 = tpu.memref_slice %arg3[%run_scoped3A_5, %add3A, %dma_start3A_44, %dma_start3A_45] : memref<2x32x40x128xi32, #tpu.memory_space<hbm>> -> memref<1x1x40x128xi32, #tpu.memory_space<hbm>>
      %dma_start3A_47 = tpu.memref_squeeze %dma_start3A_46 : memref<1x1x40x128xi32, #tpu.memory_space<hbm>> -> memref<40x128xi32, #tpu.memory_space<hbm>>
      %dma_start3A_48 = arith.constant 0 : i32
      %dma_start3A_49 = arith.constant 0 : i32
      %dma_start3A_50 = tpu.memref_slice %arg3[%run_scoped3A_5, %add3A, %dma_start3A_48, %dma_start3A_49] : memref<2x32x40x128xi32, #tpu.memory_space<hbm>> -> memref<1x1x40x128xi32, #tpu.memory_space<hbm>>
      %dma_start3A_51 = tpu.memref_squeeze %dma_start3A_50 : memref<1x1x40x128xi32, #tpu.memory_space<hbm>> -> memref<40x128xi32, #tpu.memory_space<hbm>>
      tpu.enqueue_dma source(%dma_start3A_51 : memref<40x128xi32, #tpu.memory_space<hbm>>) target(%arg7 : memref<40x128xi32, #tpu.memory_space<vmem>>) target_semaphore(%run_scoped3A_43 : memref<!tpu.dma_semaphore, #tpu.memory_space<semaphore_mem>>)
      %dma_wait3A_52 = arith.constant 0 : i32
      %dma_wait3A_53 = arith.constant 0 : i32
      %dma_wait3A_54 = tpu.memref_slice %arg3[%run_scoped3A_5, %add3A, %dma_wait3A_52, %dma_wait3A_53] : memref<2x32x40x128xi32, #tpu.memory_space<hbm>> -> memref<1x1x40x128xi32, #tpu.memory_space<hbm>>
      %dma_wait3A_55 = tpu.memref_squeeze %dma_wait3A_54 : memref<1x1x40x128xi32, #tpu.memory_space<hbm>> -> memref<40x128xi32, #tpu.memory_space<hbm>>
      %dma_wait3A_56 = arith.constant 0 : i32
      %dma_wait3A_57 = arith.constant 0 : i32
      %dma_wait3A_58 = tpu.memref_slice %arg3[%run_scoped3A_5, %add3A, %dma_wait3A_56, %dma_wait3A_57] : memref<2x32x40x128xi32, #tpu.memory_space<hbm>> -> memref<1x1x40x128xi32, #tpu.memory_space<hbm>>
      %dma_wait3A_59 = tpu.memref_squeeze %dma_wait3A_58 : memref<1x1x40x128xi32, #tpu.memory_space<hbm>> -> memref<40x128xi32, #tpu.memory_space<hbm>>
      tpu.wait_dma2 semaphore(%run_scoped3A_43 : memref<!tpu.dma_semaphore, #tpu.memory_space<semaphore_mem>>) src(%dma_wait3A_59 : memref<40x128xi32, #tpu.memory_space<hbm>>) dst(%arg7 : memref<40x128xi32, #tpu.memory_space<vmem>>)
      tpu.yield
    }) : () -> ()
    %barrier3A = arith.constant 0 : index
    tpu.barrier barrier_id(%barrier3A)
    %dma_start3A = arith.constant 0 : i32
    %dma_start3A_6 = arith.constant 0 : i32
    %dma_start3A_7 = tpu.memref_slice %arg6[%dma_start3A, %dma_start3A_6] : memref<40x128xi32, #tpu.memory_space<vmem>> -> memref<1x128xi32, #tpu.memory_space<vmem>>
    %dma_start3A_8 = tpu.memref_squeeze %dma_start3A_7 : memref<1x128xi32, #tpu.memory_space<vmem>> -> memref<128xi32, #tpu.memory_space<vmem>>
    %dma_start3A_9 = arith.constant 0 : i32
    %dma_start3A_10 = arith.constant 0 : i32
    %dma_start3A_11 = tpu.memref_slice %arg2[%dma_start3A_9, %dma_start3A_10] : memref<10240x128xf32, #tpu.memory_space<hbm>> -> memref<10240x128xf32, #tpu.memory_space<hbm>>
    tpu.enqueue_indirect_dma source(%dma_start3A_11 : memref<10240x128xf32, #tpu.memory_space<hbm>>) target(%arg8 : memref<128x128xf32, #tpu.memory_space<vmem>>) offsets(%dma_start3A_8 : memref<128xi32, #tpu.memory_space<vmem>>) semaphore(%arg11 : memref<!tpu.dma_semaphore, #tpu.memory_space<semaphore_mem>>)
    %scan3A = arith.constant 0 : i32
    %scan3A_12 = arith.constant 19 : i32
    %scan3A_13 = arith.addi %scan3A, %scan3A_12 : i32
    %scan3A_14 = arith.constant 1 : i32
    scf.for %scan3A_43 = %scan3A to %scan3A_13 step %scan3A_14  : i32 {
      %mul3A_44 = arith.constant 2 : i32
      %mul3A_45 = arith.muli %scan3A_43, %mul3A_44 : i32
      %add3A_46 = arith.constant 0 : i32
      %add3A_47 = arith.addi %add3A_46, %mul3A_45 : i32
      %add3A_48 = arith.constant 1 : i32
      %add3A_49 = arith.addi %add3A_47, %add3A_48 : i32
      %dma_start3A_50 = arith.constant 0 : i32
      %dma_start3A_51 = tpu.memref_slice %arg6[%add3A_49, %dma_start3A_50] : memref<40x128xi32, #tpu.memory_space<vmem>> -> memref<1x128xi32, #tpu.memory_space<vmem>>
      %dma_start3A_52 = tpu.memref_squeeze %dma_start3A_51 : memref<1x128xi32, #tpu.memory_space<vmem>> -> memref<128xi32, #tpu.memory_space<vmem>>
      %dma_start3A_53 = arith.constant 0 : i32
      %dma_start3A_54 = arith.constant 0 : i32
      %dma_start3A_55 = tpu.memref_slice %arg2[%dma_start3A_53, %dma_start3A_54] : memref<10240x128xf32, #tpu.memory_space<hbm>> -> memref<10240x128xf32, #tpu.memory_space<hbm>>
      tpu.enqueue_indirect_dma source(%dma_start3A_55 : memref<10240x128xf32, #tpu.memory_space<hbm>>) target(%arg9 : memref<128x128xf32, #tpu.memory_space<vmem>>) offsets(%dma_start3A_52 : memref<128xi32, #tpu.memory_space<vmem>>) semaphore(%arg12 : memref<!tpu.dma_semaphore, #tpu.memory_space<semaphore_mem>>)
      %dma_wait3A_56 = arith.constant 0 : i32
      %dma_wait3A_57 = tpu.memref_slice %arg6[%add3A_47, %dma_wait3A_56] : memref<40x128xi32, #tpu.memory_space<vmem>> -> memref<1x128xi32, #tpu.memory_space<vmem>>
      %dma_wait3A_58 = tpu.memref_squeeze %dma_wait3A_57 : memref<1x128xi32, #tpu.memory_space<vmem>> -> memref<128xi32, #tpu.memory_space<vmem>>
      %dma_wait3A_59 = arith.constant 0 : i32
      %dma_wait3A_60 = arith.constant 0 : i32
      %dma_wait3A_61 = tpu.memref_slice %arg2[%dma_wait3A_59, %dma_wait3A_60] : memref<10240x128xf32, #tpu.memory_space<hbm>> -> memref<10240x128xf32, #tpu.memory_space<hbm>>
      tpu.wait_indirect_dma semaphore(%arg11 : memref<!tpu.dma_semaphore, #tpu.memory_space<semaphore_mem>>) src(%dma_wait3A_61 : memref<10240x128xf32, #tpu.memory_space<hbm>>) dst(%arg8 : memref<128x128xf32, #tpu.memory_space<vmem>>)
      "tpu.region"() ({
        %run_scoped3A_80 = tpu.sem_alloc : memref<!tpu.dma_semaphore, #tpu.memory_space<semaphore_mem>>
        %dma_start3A_81 = arith.constant 0 : i32
        %dma_start3A_82 = tpu.memref_slice %arg7[%add3A_47, %dma_start3A_81] : memref<40x128xi32, #tpu.memory_space<vmem>> -> memref<1x128xi32, #tpu.memory_space<vmem>>
        %dma_start3A_83 = tpu.memref_squeeze %dma_start3A_82 : memref<1x128xi32, #tpu.memory_space<vmem>> -> memref<128xi32, #tpu.memory_space<vmem>>
        %dma_start3A_84 = arith.constant 0 : i32
        %dma_start3A_85 = arith.constant 0 : i32
        %dma_start3A_86 = tpu.memref_slice %arg10[%dma_start3A_84, %dma_start3A_85] : memref<10240x128xf32, #tpu.memory_space<vmem_shared>> -> memref<10240x128xf32, #tpu.memory_space<vmem_shared>>
        tpu.enqueue_indirect_dma source(%arg8 : memref<128x128xf32, #tpu.memory_space<vmem>>) target(%dma_start3A_86 : memref<10240x128xf32, #tpu.memory_space<vmem_shared>>) offsets(%dma_start3A_83 : memref<128xi32, #tpu.memory_space<vmem>>) semaphore(%run_scoped3A_80 : memref<!tpu.dma_semaphore, #tpu.memory_space<semaphore_mem>>) {add = true}
        %dma_wait3A_87 = arith.constant 0 : i32
        %dma_wait3A_88 = tpu.memref_slice %arg7[%add3A_47, %dma_wait3A_87] : memref<40x128xi32, #tpu.memory_space<vmem>> -> memref<1x128xi32, #tpu.memory_space<vmem>>
        %dma_wait3A_89 = tpu.memref_squeeze %dma_wait3A_88 : memref<1x128xi32, #tpu.memory_space<vmem>> -> memref<128xi32, #tpu.memory_space<vmem>>
        %dma_wait3A_90 = arith.constant 0 : i32
        %dma_wait3A_91 = arith.constant 0 : i32
        %dma_wait3A_92 = tpu.memref_slice %arg10[%dma_wait3A_90, %dma_wait3A_91] : memref<10240x128xf32, #tpu.memory_space<vmem_shared>> -> memref<10240x128xf32, #tpu.memory_space<vmem_shared>>
        tpu.wait_indirect_dma semaphore(%run_scoped3A_80 : memref<!tpu.dma_semaphore, #tpu.memory_space<semaphore_mem>>) src(%arg8 : memref<128x128xf32, #tpu.memory_space<vmem>>) dst(%dma_wait3A_92 : memref<10240x128xf32, #tpu.memory_space<vmem_shared>>)
        tpu.yield
      }) : () -> ()
      %add3A_62 = arith.constant 2 : i32
      %add3A_63 = arith.addi %add3A_47, %add3A_62 : i32
      %dma_start3A_64 = arith.constant 0 : i32
      %dma_start3A_65 = tpu.memref_slice %arg6[%add3A_63, %dma_start3A_64] : memref<40x128xi32, #tpu.memory_space<vmem>> -> memref<1x128xi32, #tpu.memory_space<vmem>>
      %dma_start3A_66 = tpu.memref_squeeze %dma_start3A_65 : memref<1x128xi32, #tpu.memory_space<vmem>> -> memref<128xi32, #tpu.memory_space<vmem>>
      %dma_start3A_67 = arith.constant 0 : i32
      %dma_start3A_68 = arith.constant 0 : i32
      %dma_start3A_69 = tpu.memref_slice %arg2[%dma_start3A_67, %dma_start3A_68] : memref<10240x128xf32, #tpu.memory_space<hbm>> -> memref<10240x128xf32, #tpu.memory_space<hbm>>
      tpu.enqueue_indirect_dma source(%dma_start3A_69 : memref<10240x128xf32, #tpu.memory_space<hbm>>) target(%arg8 : memref<128x128xf32, #tpu.memory_space<vmem>>) offsets(%dma_start3A_66 : memref<128xi32, #tpu.memory_space<vmem>>) semaphore(%arg11 : memref<!tpu.dma_semaphore, #tpu.memory_space<semaphore_mem>>)
      %add3A_70 = arith.constant 1 : i32
      %add3A_71 = arith.addi %add3A_47, %add3A_70 : i32
      %dma_wait3A_72 = arith.constant 0 : i32
      %dma_wait3A_73 = tpu.memref_slice %arg6[%add3A_71, %dma_wait3A_72] : memref<40x128xi32, #tpu.memory_space<vmem>> -> memref<1x128xi32, #tpu.memory_space<vmem>>
      %dma_wait3A_74 = tpu.memref_squeeze %dma_wait3A_73 : memref<1x128xi32, #tpu.memory_space<vmem>> -> memref<128xi32, #tpu.memory_space<vmem>>
      %dma_wait3A_75 = arith.constant 0 : i32
      %dma_wait3A_76 = arith.constant 0 : i32
      %dma_wait3A_77 = tpu.memref_slice %arg2[%dma_wait3A_75, %dma_wait3A_76] : memref<10240x128xf32, #tpu.memory_space<hbm>> -> memref<10240x128xf32, #tpu.memory_space<hbm>>
      tpu.wait_indirect_dma semaphore(%arg12 : memref<!tpu.dma_semaphore, #tpu.memory_space<semaphore_mem>>) src(%dma_wait3A_77 : memref<10240x128xf32, #tpu.memory_space<hbm>>) dst(%arg9 : memref<128x128xf32, #tpu.memory_space<vmem>>)
      %add3A_78 = arith.constant 1 : i32
      %add3A_79 = arith.addi %add3A_47, %add3A_78 : i32
      "tpu.region"() ({
        %run_scoped3A_80 = tpu.sem_alloc : memref<!tpu.dma_semaphore, #tpu.memory_space<semaphore_mem>>
        %dma_start3A_81 = arith.constant 0 : i32
        %dma_start3A_82 = tpu.memref_slice %arg7[%add3A_79, %dma_start3A_81] : memref<40x128xi32, #tpu.memory_space<vmem>> -> memref<1x128xi32, #tpu.memory_space<vmem>>
        %dma_start3A_83 = tpu.memref_squeeze %dma_start3A_82 : memref<1x128xi32, #tpu.memory_space<vmem>> -> memref<128xi32, #tpu.memory_space<vmem>>
        %dma_start3A_84 = arith.constant 0 : i32
        %dma_start3A_85 = arith.constant 0 : i32
        %dma_start3A_86 = tpu.memref_slice %arg10[%dma_start3A_84, %dma_start3A_85] : memref<10240x128xf32, #tpu.memory_space<vmem_shared>> -> memref<10240x128xf32, #tpu.memory_space<vmem_shared>>
        tpu.enqueue_indirect_dma source(%arg9 : memref<128x128xf32, #tpu.memory_space<vmem>>) target(%dma_start3A_86 : memref<10240x128xf32, #tpu.memory_space<vmem_shared>>) offsets(%dma_start3A_83 : memref<128xi32, #tpu.memory_space<vmem>>) semaphore(%run_scoped3A_80 : memref<!tpu.dma_semaphore, #tpu.memory_space<semaphore_mem>>) {add = true}
        %dma_wait3A_87 = arith.constant 0 : i32
        %dma_wait3A_88 = tpu.memref_slice %arg7[%add3A_79, %dma_wait3A_87] : memref<40x128xi32, #tpu.memory_space<vmem>> -> memref<1x128xi32, #tpu.memory_space<vmem>>
        %dma_wait3A_89 = tpu.memref_squeeze %dma_wait3A_88 : memref<1x128xi32, #tpu.memory_space<vmem>> -> memref<128xi32, #tpu.memory_space<vmem>>
        %dma_wait3A_90 = arith.constant 0 : i32
        %dma_wait3A_91 = arith.constant 0 : i32
        %dma_wait3A_92 = tpu.memref_slice %arg10[%dma_wait3A_90, %dma_wait3A_91] : memref<10240x128xf32, #tpu.memory_space<vmem_shared>> -> memref<10240x128xf32, #tpu.memory_space<vmem_shared>>
        tpu.wait_indirect_dma semaphore(%run_scoped3A_80 : memref<!tpu.dma_semaphore, #tpu.memory_space<semaphore_mem>>) src(%arg9 : memref<128x128xf32, #tpu.memory_space<vmem>>) dst(%dma_wait3A_92 : memref<10240x128xf32, #tpu.memory_space<vmem_shared>>)
        tpu.yield
      }) : () -> ()
    }
    %scan3A_15 = arith.constant 19 : i32
    %dma_start3A_16 = arith.constant 39 : i32
    %dma_start3A_17 = arith.constant 0 : i32
    %dma_start3A_18 = tpu.memref_slice %arg6[%dma_start3A_16, %dma_start3A_17] : memref<40x128xi32, #tpu.memory_space<vmem>> -> memref<1x128xi32, #tpu.memory_space<vmem>>
    %dma_start3A_19 = tpu.memref_squeeze %dma_start3A_18 : memref<1x128xi32, #tpu.memory_space<vmem>> -> memref<128xi32, #tpu.memory_space<vmem>>
    %dma_start3A_20 = arith.constant 0 : i32
    %dma_start3A_21 = arith.constant 0 : i32
    %dma_start3A_22 = tpu.memref_slice %arg2[%dma_start3A_20, %dma_start3A_21] : memref<10240x128xf32, #tpu.memory_space<hbm>> -> memref<10240x128xf32, #tpu.memory_space<hbm>>
    tpu.enqueue_indirect_dma source(%dma_start3A_22 : memref<10240x128xf32, #tpu.memory_space<hbm>>) target(%arg9 : memref<128x128xf32, #tpu.memory_space<vmem>>) offsets(%dma_start3A_19 : memref<128xi32, #tpu.memory_space<vmem>>) semaphore(%arg12 : memref<!tpu.dma_semaphore, #tpu.memory_space<semaphore_mem>>)
    %dma_wait3A = arith.constant 38 : i32
    %dma_wait3A_23 = arith.constant 0 : i32
    %dma_wait3A_24 = tpu.memref_slice %arg6[%dma_wait3A, %dma_wait3A_23] : memref<40x128xi32, #tpu.memory_space<vmem>> -> memref<1x128xi32, #tpu.memory_space<vmem>>
    %dma_wait3A_25 = tpu.memref_squeeze %dma_wait3A_24 : memref<1x128xi32, #tpu.memory_space<vmem>> -> memref<128xi32, #tpu.memory_space<vmem>>
    %dma_wait3A_26 = arith.constant 0 : i32
    %dma_wait3A_27 = arith.constant 0 : i32
    %dma_wait3A_28 = tpu.memref_slice %arg2[%dma_wait3A_26, %dma_wait3A_27] : memref<10240x128xf32, #tpu.memory_space<hbm>> -> memref<10240x128xf32, #tpu.memory_space<hbm>>
    tpu.wait_indirect_dma semaphore(%arg11 : memref<!tpu.dma_semaphore, #tpu.memory_space<semaphore_mem>>) src(%dma_wait3A_28 : memref<10240x128xf32, #tpu.memory_space<hbm>>) dst(%arg8 : memref<128x128xf32, #tpu.memory_space<vmem>>)
    %run_scoped3A_29 = arith.constant 38 : i32
    "tpu.region"() ({
      %run_scoped3A_43 = tpu.sem_alloc : memref<!tpu.dma_semaphore, #tpu.memory_space<semaphore_mem>>
      %dma_start3A_44 = arith.constant 0 : i32
      %dma_start3A_45 = tpu.memref_slice %arg7[%run_scoped3A_29, %dma_start3A_44] : memref<40x128xi32, #tpu.memory_space<vmem>> -> memref<1x128xi32, #tpu.memory_space<vmem>>
      %dma_start3A_46 = tpu.memref_squeeze %dma_start3A_45 : memref<1x128xi32, #tpu.memory_space<vmem>> -> memref<128xi32, #tpu.memory_space<vmem>>
      %dma_start3A_47 = arith.constant 0 : i32
      %dma_start3A_48 = arith.constant 0 : i32
      %dma_start3A_49 = tpu.memref_slice %arg10[%dma_start3A_47, %dma_start3A_48] : memref<10240x128xf32, #tpu.memory_space<vmem_shared>> -> memref<10240x128xf32, #tpu.memory_space<vmem_shared>>
      tpu.enqueue_indirect_dma source(%arg8 : memref<128x128xf32, #tpu.memory_space<vmem>>) target(%dma_start3A_49 : memref<10240x128xf32, #tpu.memory_space<vmem_shared>>) offsets(%dma_start3A_46 : memref<128xi32, #tpu.memory_space<vmem>>) semaphore(%run_scoped3A_43 : memref<!tpu.dma_semaphore, #tpu.memory_space<semaphore_mem>>) {add = true}
      %dma_wait3A_50 = arith.constant 0 : i32
      %dma_wait3A_51 = tpu.memref_slice %arg7[%run_scoped3A_29, %dma_wait3A_50] : memref<40x128xi32, #tpu.memory_space<vmem>> -> memref<1x128xi32, #tpu.memory_space<vmem>>
      %dma_wait3A_52 = tpu.memref_squeeze %dma_wait3A_51 : memref<1x128xi32, #tpu.memory_space<vmem>> -> memref<128xi32, #tpu.memory_space<vmem>>
      %dma_wait3A_53 = arith.constant 0 : i32
      %dma_wait3A_54 = arith.constant 0 : i32
      %dma_wait3A_55 = tpu.memref_slice %arg10[%dma_wait3A_53, %dma_wait3A_54] : memref<10240x128xf32, #tpu.memory_space<vmem_shared>> -> memref<10240x128xf32, #tpu.memory_space<vmem_shared>>
      tpu.wait_indirect_dma semaphore(%run_scoped3A_43 : memref<!tpu.dma_semaphore, #tpu.memory_space<semaphore_mem>>) src(%arg8 : memref<128x128xf32, #tpu.memory_space<vmem>>) dst(%dma_wait3A_55 : memref<10240x128xf32, #tpu.memory_space<vmem_shared>>)
      tpu.yield
    }) : () -> ()
    %dma_wait3A_30 = arith.constant 39 : i32
    %dma_wait3A_31 = arith.constant 0 : i32
    %dma_wait3A_32 = tpu.memref_slice %arg6[%dma_wait3A_30, %dma_wait3A_31] : memref<40x128xi32, #tpu.memory_space<vmem>> -> memref<1x128xi32, #tpu.memory_space<vmem>>
    %dma_wait3A_33 = tpu.memref_squeeze %dma_wait3A_32 : memref<1x128xi32, #tpu.memory_space<vmem>> -> memref<128xi32, #tpu.memory_space<vmem>>
    %dma_wait3A_34 = arith.constant 0 : i32
    %dma_wait3A_35 = arith.constant 0 : i32
    %dma_wait3A_36 = tpu.memref_slice %arg2[%dma_wait3A_34, %dma_wait3A_35] : memref<10240x128xf32, #tpu.memory_space<hbm>> -> memref<10240x128xf32, #tpu.memory_space<hbm>>
    tpu.wait_indirect_dma semaphore(%arg12 : memref<!tpu.dma_semaphore, #tpu.memory_space<semaphore_mem>>) src(%dma_wait3A_36 : memref<10240x128xf32, #tpu.memory_space<hbm>>) dst(%arg9 : memref<128x128xf32, #tpu.memory_space<vmem>>)
    %run_scoped3A_37 = arith.constant 39 : i32
    "tpu.region"() ({
      %run_scoped3A_43 = tpu.sem_alloc : memref<!tpu.dma_semaphore, #tpu.memory_space<semaphore_mem>>
      %dma_start3A_44 = arith.constant 0 : i32
      %dma_start3A_45 = tpu.memref_slice %arg7[%run_scoped3A_37, %dma_start3A_44] : memref<40x128xi32, #tpu.memory_space<vmem>> -> memref<1x128xi32, #tpu.memory_space<vmem>>
      %dma_start3A_46 = tpu.memref_squeeze %dma_start3A_45 : memref<1x128xi32, #tpu.memory_space<vmem>> -> memref<128xi32, #tpu.memory_space<vmem>>
      %dma_start3A_47 = arith.constant 0 : i32
      %dma_start3A_48 = arith.constant 0 : i32
      %dma_start3A_49 = tpu.memref_slice %arg10[%dma_start3A_47, %dma_start3A_48] : memref<10240x128xf32, #tpu.memory_space<vmem_shared>> -> memref<10240x128xf32, #tpu.memory_space<vmem_shared>>
      tpu.enqueue_indirect_dma source(%arg9 : memref<128x128xf32, #tpu.memory_space<vmem>>) target(%dma_start3A_49 : memref<10240x128xf32, #tpu.memory_space<vmem_shared>>) offsets(%dma_start3A_46 : memref<128xi32, #tpu.memory_space<vmem>>) semaphore(%run_scoped3A_43 : memref<!tpu.dma_semaphore, #tpu.memory_space<semaphore_mem>>) {add = true}
      %dma_wait3A_50 = arith.constant 0 : i32
      %dma_wait3A_51 = tpu.memref_slice %arg7[%run_scoped3A_37, %dma_wait3A_50] : memref<40x128xi32, #tpu.memory_space<vmem>> -> memref<1x128xi32, #tpu.memory_space<vmem>>
      %dma_wait3A_52 = tpu.memref_squeeze %dma_wait3A_51 : memref<1x128xi32, #tpu.memory_space<vmem>> -> memref<128xi32, #tpu.memory_space<vmem>>
      %dma_wait3A_53 = arith.constant 0 : i32
      %dma_wait3A_54 = arith.constant 0 : i32
      %dma_wait3A_55 = tpu.memref_slice %arg10[%dma_wait3A_53, %dma_wait3A_54] : memref<10240x128xf32, #tpu.memory_space<vmem_shared>> -> memref<10240x128xf32, #tpu.memory_space<vmem_shared>>
      tpu.wait_indirect_dma semaphore(%run_scoped3A_43 : memref<!tpu.dma_semaphore, #tpu.memory_space<semaphore_mem>>) src(%arg9 : memref<128x128xf32, #tpu.memory_space<vmem>>) dst(%dma_wait3A_55 : memref<10240x128xf32, #tpu.memory_space<vmem_shared>>)
      tpu.yield
    }) : () -> ()
    %barrier3A_38 = arith.constant 0 : index
    tpu.barrier barrier_id(%barrier3A_38)
    %mul3A_39 = arith.constant 640 : i32
    %mul3A_40 = arith.muli %arg1, %mul3A_39 : i32
    %mul3A_41 = arith.constant 640 : i32
    %mul3A_42 = arith.muli %arg1, %mul3A_41 : i32
    "tpu.region"() ({
      %run_scoped3A_43 = tpu.sem_alloc : memref<!tpu.dma_semaphore, #tpu.memory_space<semaphore_mem>>
      %dma_start3A_44 = arith.constant 0 : i32
      %dma_start3A_45 = tpu.memref_slice %arg5[%arg0, %mul3A_42, %dma_start3A_44] : memref<2x10240x128xf32, #tpu.memory_space<hbm>> -> memref<1x640x128xf32, #tpu.memory_space<hbm>>
      %dma_start3A_46 = tpu.memref_squeeze %dma_start3A_45 : memref<1x640x128xf32, #tpu.memory_space<hbm>> -> memref<640x128xf32, #tpu.memory_space<hbm>>
      %dma_start3A_47 = arith.constant 0 : i32
      %dma_start3A_48 = tpu.memref_slice %arg10[%mul3A_40, %dma_start3A_47] : memref<10240x128xf32, #tpu.memory_space<vmem_shared>> -> memref<640x128xf32, #tpu.memory_space<vmem_shared>>
      tpu.enqueue_dma source(%dma_start3A_48 : memref<640x128xf32, #tpu.memory_space<vmem_shared>>) target(%dma_start3A_46 : memref<640x128xf32, #tpu.memory_space<hbm>>) target_semaphore(%run_scoped3A_43 : memref<!tpu.dma_semaphore, #tpu.memory_space<semaphore_mem>>)
      %dma_wait3A_49 = arith.constant 0 : i32
      %dma_wait3A_50 = tpu.memref_slice %arg5[%arg0, %mul3A_42, %dma_wait3A_49] : memref<2x10240x128xf32, #tpu.memory_space<hbm>> -> memref<1x640x128xf32, #tpu.memory_space<hbm>>
      %dma_wait3A_51 = tpu.memref_squeeze %dma_wait3A_50 : memref<1x640x128xf32, #tpu.memory_space<hbm>> -> memref<640x128xf32, #tpu.memory_space<hbm>>
      %dma_wait3A_52 = arith.constant 0 : i32
      %dma_wait3A_53 = tpu.memref_slice %arg10[%mul3A_40, %dma_wait3A_52] : memref<10240x128xf32, #tpu.memory_space<vmem_shared>> -> memref<640x128xf32, #tpu.memory_space<vmem_shared>>
      tpu.wait_dma2 semaphore(%run_scoped3A_43 : memref<!tpu.dma_semaphore, #tpu.memory_space<semaphore_mem>>) src(%dma_wait3A_53 : memref<640x128xf32, #tpu.memory_space<vmem_shared>>) dst(%dma_wait3A_51 : memref<640x128xf32, #tpu.memory_space<hbm>>)
      tpu.yield
    }) : () -> ()
    return
  }
}

#map = affine_map<(d0, d1) -> (0, 0)>
#map1 = affine_map<(d0, d1) -> (0, 0, 0, 0)>
#map2 = affine_map<(d0, d1) -> (0, 0, 0)>
module attributes {stable_mosaic.version = 14 : i64} {
  func.func @k(%arg0: i32, %arg1: i32, %arg2: memref<10240x128xf32, #tpu.memory_space<hbm>>, %arg3: memref<2x32x40x128xi32, #tpu.memory_space<hbm>>, %arg4: memref<10240x128xf32, #tpu.memory_space<hbm>>, %arg5: memref<2x10240x128xf32, #tpu.memory_space<hbm>>, %arg6: memref<40x128xi32, #tpu.memory_space<vmem>>, %arg7: memref<40x128xi32, #tpu.memory_space<vmem>>, %arg8: memref<128x128xf32, #tpu.memory_space<vmem>>, %arg9: memref<128x128xf32, #tpu.memory_space<vmem>>, %arg10: memref<10240x128xf32, #tpu.memory_space<vmem_shared>>, %arg11: memref<!tpu.dma_semaphore, #tpu.memory_space<semaphore_mem>>, %arg12: memref<!tpu.dma_semaphore, #tpu.memory_space<semaphore_mem>>) attributes {dimension_semantics = [#tpu.dimension_semantics<core_parallel>, #tpu.dimension_semantics<subcore_parallel>], iteration_bounds = array<i64: 2, 16>, scalar_prefetch = 0 : i64, scratch_operands = 7 : i64, tpu.core_type = #tpu.core_type<sc_vector_subcore>, window_params = [{transform_indices = #map}, {transform_indices = #map1}, {transform_indices = #map}, {transform_indices = #map2}]} {
    %mul3A = arith.constant 16 : i32
    %mul3A_0 = arith.muli %arg0, %mul3A : i32
    %add3A = arith.addi %mul3A_0, %arg1 : i32
    %mul3A_1 = arith.constant 640 : i32
    %mul3A_2 = arith.muli %arg1, %mul3A_1 : i32
    %mul3A_3 = arith.constant 640 : i32
    %mul3A_4 = arith.muli %arg1, %mul3A_3 : i32
    "tpu.region"() ({
      %run_scoped3A_43 = tpu.sem_alloc : memref<!tpu.dma_semaphore, #tpu.memory_space<semaphore_mem>>
      %dma_start3A_44 = arith.constant 0 : i32
      %dma_start3A_45 = tpu.memref_slice %arg10[%mul3A_4, %dma_start3A_44] : memref<10240x128xf32, #tpu.memory_space<vmem_shared>> -> memref<640x128xf32, #tpu.memory_space<vmem_shared>>
      %dma_start3A_46 = arith.constant 0 : i32
      %dma_start3A_47 = tpu.memref_slice %arg4[%mul3A_2, %dma_start3A_46] : memref<10240x128xf32, #tpu.memory_space<hbm>> -> memref<640x128xf32, #tpu.memory_space<hbm>>
      tpu.enqueue_dma source(%dma_start3A_47 : memref<640x128xf32, #tpu.memory_space<hbm>>) target(%dma_start3A_45 : memref<640x128xf32, #tpu.memory_space<vmem_shared>>) target_semaphore(%run_scoped3A_43 : memref<!tpu.dma_semaphore, #tpu.memory_space<semaphore_mem>>)
      %dma_wait3A_48 = arith.constant 0 : i32
      %dma_wait3A_49 = tpu.memref_slice %arg10[%mul3A_4, %dma_wait3A_48] : memref<10240x128xf32, #tpu.memory_space<vmem_shared>> -> memref<640x128xf32, #tpu.memory_space<vmem_shared>>
      %dma_wait3A_50 = arith.constant 0 : i32
      %dma_wait3A_51 = tpu.memref_slice %arg4[%mul3A_2, %dma_wait3A_50] : memref<10240x128xf32, #tpu.memory_space<hbm>> -> memref<640x128xf32, #tpu.memory_space<hbm>>
      tpu.wait_dma2 semaphore(%run_scoped3A_43 : memref<!tpu.dma_semaphore, #tpu.memory_space<semaphore_mem>>) src(%dma_wait3A_51 : memref<640x128xf32, #tpu.memory_space<hbm>>) dst(%dma_wait3A_49 : memref<640x128xf32, #tpu.memory_space<vmem_shared>>)
      tpu.yield
    }) : () -> ()
    %run_scoped3A = arith.constant 0 : i32
    "tpu.region"() ({
      %run_scoped3A_43 = tpu.sem_alloc : memref<!tpu.dma_semaphore, #tpu.memory_space<semaphore_mem>>
      %dma_start3A_44 = arith.constant 0 : i32
      %dma_start3A_45 = arith.constant 0 : i32
      %dma_start3A_46 = tpu.memref_slice %arg3[%run_scoped3A, %add3A, %dma_start3A_44, %dma_start3A_45] : memref<2x32x40x128xi32, #tpu.memory_space<hbm>> -> memref<1x1x40x128xi32, #tpu.memory_space<hbm>>
      %dma_start3A_47 = tpu.memref_squeeze %dma_start3A_46 : memref<1x1x40x128xi32, #tpu.memory_space<hbm>> -> memref<40x128xi32, #tpu.memory_space<hbm>>
      %dma_start3A_48 = arith.constant 0 : i32
      %dma_start3A_49 = arith.constant 0 : i32
      %dma_start3A_50 = tpu.memref_slice %arg3[%run_scoped3A, %add3A, %dma_start3A_48, %dma_start3A_49] : memref<2x32x40x128xi32, #tpu.memory_space<hbm>> -> memref<1x1x40x128xi32, #tpu.memory_space<hbm>>
      %dma_start3A_51 = tpu.memref_squeeze %dma_start3A_50 : memref<1x1x40x128xi32, #tpu.memory_space<hbm>> -> memref<40x128xi32, #tpu.memory_space<hbm>>
      tpu.enqueue_dma source(%dma_start3A_51 : memref<40x128xi32, #tpu.memory_space<hbm>>) target(%arg6 : memref<40x128xi32, #tpu.memory_space<vmem>>) target_semaphore(%run_scoped3A_43 : memref<!tpu.dma_semaphore, #tpu.memory_space<semaphore_mem>>)
      %dma_wait3A_52 = arith.constant 0 : i32
      %dma_wait3A_53 = arith.constant 0 : i32
      %dma_wait3A_54 = tpu.memref_slice %arg3[%run_scoped3A, %add3A, %dma_wait3A_52, %dma_wait3A_53] : memref<2x32x40x128xi32, #tpu.memory_space<hbm>> -> memref<1x1x40x128xi32, #tpu.memory_space<hbm>>
      %dma_wait3A_55 = tpu.memref_squeeze %dma_wait3A_54 : memref<1x1x40x128xi32, #tpu.memory_space<hbm>> -> memref<40x128xi32, #tpu.memory_space<hbm>>
      %dma_wait3A_56 = arith.constant 0 : i32
      %dma_wait3A_57 = arith.constant 0 : i32
      %dma_wait3A_58 = tpu.memref_slice %arg3[%run_scoped3A, %add3A, %dma_wait3A_56, %dma_wait3A_57] : memref<2x32x40x128xi32, #tpu.memory_space<hbm>> -> memref<1x1x40x128xi32, #tpu.memory_space<hbm>>
      %dma_wait3A_59 = tpu.memref_squeeze %dma_wait3A_58 : memref<1x1x40x128xi32, #tpu.memory_space<hbm>> -> memref<40x128xi32, #tpu.memory_space<hbm>>
      tpu.wait_dma2 semaphore(%run_scoped3A_43 : memref<!tpu.dma_semaphore, #tpu.memory_space<semaphore_mem>>) src(%dma_wait3A_59 : memref<40x128xi32, #tpu.memory_space<hbm>>) dst(%arg6 : memref<40x128xi32, #tpu.memory_space<vmem>>)
      tpu.yield
    }) : () -> ()
    %run_scoped3A_5 = arith.constant 1 : i32
    "tpu.region"() ({
      %run_scoped3A_43 = tpu.sem_alloc : memref<!tpu.dma_semaphore, #tpu.memory_space<semaphore_mem>>
      %dma_start3A_44 = arith.constant 0 : i32
      %dma_start3A_45 = arith.constant 0 : i32
      %dma_start3A_46 = tpu.memref_slice %arg3[%run_scoped3A_5, %add3A, %dma_start3A_44, %dma_start3A_45] : memref<2x32x40x128xi32, #tpu.memory_space<hbm>> -> memref<1x1x40x128xi32, #tpu.memory_space<hbm>>
      %dma_start3A_47 = tpu.memref_squeeze %dma_start3A_46 : memref<1x1x40x128xi32, #tpu.memory_space<hbm>> -> memref<40x128xi32, #tpu.memory_space<hbm>>
      %dma_start3A_48 = arith.constant 0 : i32
      %dma_start3A_49 = arith.constant 0 : i32
      %dma_start3A_50 = tpu.memref_slice %arg3[%run_scoped3A_5, %add3A, %dma_start3A_48, %dma_start3A_49] : memref<2x32x40x128xi32, #tpu.memory_space<hbm>> -> memref<1x1x40x128xi32, #tpu.memory_space<hbm>>
      %dma_start3A_51 = tpu.memref_squeeze %dma_start3A_50 : memref<1x1x40x128xi32, #tpu.memory_space<hbm>> -> memref<40x128xi32, #tpu.memory_space<hbm>>
      tpu.enqueue_dma source(%dma_start3A_51 : memref<40x128xi32, #tpu.memory_space<hbm>>) target(%arg7 : memref<40x128xi32, #tpu.memory_space<vmem>>) target_semaphore(%run_scoped3A_43 : memref<!tpu.dma_semaphore, #tpu.memory_space<semaphore_mem>>)
      %dma_wait3A_52 = arith.constant 0 : i32
      %dma_wait3A_53 = arith.constant 0 : i32
      %dma_wait3A_54 = tpu.memref_slice %arg3[%run_scoped3A_5, %add3A, %dma_wait3A_52, %dma_wait3A_53] : memref<2x32x40x128xi32, #tpu.memory_space<hbm>> -> memref<1x1x40x128xi32, #tpu.memory_space<hbm>>
      %dma_wait3A_55 = tpu.memref_squeeze %dma_wait3A_54 : memref<1x1x40x128xi32, #tpu.memory_space<hbm>> -> memref<40x128xi32, #tpu.memory_space<hbm>>
      %dma_wait3A_56 = arith.constant 0 : i32
      %dma_wait3A_57 = arith.constant 0 : i32
      %dma_wait3A_58 = tpu.memref_slice %arg3[%run_scoped3A_5, %add3A, %dma_wait3A_56, %dma_wait3A_57] : memref<2x32x40x128xi32, #tpu.memory_space<hbm>> -> memref<1x1x40x128xi32, #tpu.memory_space<hbm>>
      %dma_wait3A_59 = tpu.memref_squeeze %dma_wait3A_58 : memref<1x1x40x128xi32, #tpu.memory_space<hbm>> -> memref<40x128xi32, #tpu.memory_space<hbm>>
      tpu.wait_dma2 semaphore(%run_scoped3A_43 : memref<!tpu.dma_semaphore, #tpu.memory_space<semaphore_mem>>) src(%dma_wait3A_59 : memref<40x128xi32, #tpu.memory_space<hbm>>) dst(%arg7 : memref<40x128xi32, #tpu.memory_space<vmem>>)
      tpu.yield
    }) : () -> ()
    %barrier3A = arith.constant 0 : index
    tpu.barrier barrier_id(%barrier3A)
    %dma_start3A = arith.constant 0 : i32
    %dma_start3A_6 = arith.constant 0 : i32
    %dma_start3A_7 = tpu.memref_slice %arg6[%dma_start3A, %dma_start3A_6] : memref<40x128xi32, #tpu.memory_space<vmem>> -> memref<1x128xi32, #tpu.memory_space<vmem>>
    %dma_start3A_8 = tpu.memref_squeeze %dma_start3A_7 : memref<1x128xi32, #tpu.memory_space<vmem>> -> memref<128xi32, #tpu.memory_space<vmem>>
    %dma_start3A_9 = arith.constant 0 : i32
    %dma_start3A_10 = arith.constant 0 : i32
    %dma_start3A_11 = tpu.memref_slice %arg2[%dma_start3A_9, %dma_start3A_10] : memref<10240x128xf32, #tpu.memory_space<hbm>> -> memref<10240x128xf32, #tpu.memory_space<hbm>>
    tpu.enqueue_indirect_dma source(%dma_start3A_11 : memref<10240x128xf32, #tpu.memory_space<hbm>>) target(%arg8 : memref<128x128xf32, #tpu.memory_space<vmem>>) offsets(%dma_start3A_8 : memref<128xi32, #tpu.memory_space<vmem>>) semaphore(%arg11 : memref<!tpu.dma_semaphore, #tpu.memory_space<semaphore_mem>>)
    %scan3A = arith.constant 0 : i32
    %scan3A_12 = arith.constant 19 : i32
    %scan3A_13 = arith.addi %scan3A, %scan3A_12 : i32
    %scan3A_14 = arith.constant 1 : i32
    scf.for %scan3A_43 = %scan3A to %scan3A_13 step %scan3A_14  : i32 {
      %mul3A_44 = arith.constant 2 : i32
      %mul3A_45 = arith.muli %scan3A_43, %mul3A_44 : i32
      %add3A_46 = arith.constant 0 : i32
      %add3A_47 = arith.addi %add3A_46, %mul3A_45 : i32
      %add3A_48 = arith.constant 1 : i32
      %add3A_49 = arith.addi %add3A_47, %add3A_48 : i32
      %dma_start3A_50 = arith.constant 0 : i32
      %dma_start3A_51 = tpu.memref_slice %arg6[%add3A_49, %dma_start3A_50] : memref<40x128xi32, #tpu.memory_space<vmem>> -> memref<1x128xi32, #tpu.memory_space<vmem>>
      %dma_start3A_52 = tpu.memref_squeeze %dma_start3A_51 : memref<1x128xi32, #tpu.memory_space<vmem>> -> memref<128xi32, #tpu.memory_space<vmem>>
      %dma_start3A_53 = arith.constant 0 : i32
      %dma_start3A_54 = arith.constant 0 : i32
      %dma_start3A_55 = tpu.memref_slice %arg2[%dma_start3A_53, %dma_start3A_54] : memref<10240x128xf32, #tpu.memory_space<hbm>> -> memref<10240x128xf32, #tpu.memory_space<hbm>>
      tpu.enqueue_indirect_dma source(%dma_start3A_55 : memref<10240x128xf32, #tpu.memory_space<hbm>>) target(%arg9 : memref<128x128xf32, #tpu.memory_space<vmem>>) offsets(%dma_start3A_52 : memref<128xi32, #tpu.memory_space<vmem>>) semaphore(%arg12 : memref<!tpu.dma_semaphore, #tpu.memory_space<semaphore_mem>>)
      %dma_wait3A_56 = arith.constant 0 : i32
      %dma_wait3A_57 = tpu.memref_slice %arg6[%add3A_47, %dma_wait3A_56] : memref<40x128xi32, #tpu.memory_space<vmem>> -> memref<1x128xi32, #tpu.memory_space<vmem>>
      %dma_wait3A_58 = tpu.memref_squeeze %dma_wait3A_57 : memref<1x128xi32, #tpu.memory_space<vmem>> -> memref<128xi32, #tpu.memory_space<vmem>>
      %dma_wait3A_59 = arith.constant 0 : i32
      %dma_wait3A_60 = arith.constant 0 : i32
      %dma_wait3A_61 = tpu.memref_slice %arg2[%dma_wait3A_59, %dma_wait3A_60] : memref<10240x128xf32, #tpu.memory_space<hbm>> -> memref<10240x128xf32, #tpu.memory_space<hbm>>
      tpu.wait_indirect_dma semaphore(%arg11 : memref<!tpu.dma_semaphore, #tpu.memory_space<semaphore_mem>>) src(%dma_wait3A_61 : memref<10240x128xf32, #tpu.memory_space<hbm>>) dst(%arg8 : memref<128x128xf32, #tpu.memory_space<vmem>>)
      "tpu.region"() ({
        %run_scoped3A_80 = tpu.sem_alloc : memref<!tpu.dma_semaphore, #tpu.memory_space<semaphore_mem>>
        %dma_start3A_81 = arith.constant 0 : i32
        %dma_start3A_82 = tpu.memref_slice %arg7[%add3A_47, %dma_start3A_81] : memref<40x128xi32, #tpu.memory_space<vmem>> -> memref<1x128xi32, #tpu.memory_space<vmem>>
        %dma_start3A_83 = tpu.memref_squeeze %dma_start3A_82 : memref<1x128xi32, #tpu.memory_space<vmem>> -> memref<128xi32, #tpu.memory_space<vmem>>
        %dma_start3A_84 = arith.constant 0 : i32
        %dma_start3A_85 = arith.constant 0 : i32
        %dma_start3A_86 = tpu.memref_slice %arg10[%dma_start3A_84, %dma_start3A_85] : memref<10240x128xf32, #tpu.memory_space<vmem_shared>> -> memref<10240x128xf32, #tpu.memory_space<vmem_shared>>
        tpu.enqueue_indirect_dma source(%arg8 : memref<128x128xf32, #tpu.memory_space<vmem>>) target(%dma_start3A_86 : memref<10240x128xf32, #tpu.memory_space<vmem_shared>>) offsets(%dma_start3A_83 : memref<128xi32, #tpu.memory_space<vmem>>) semaphore(%run_scoped3A_80 : memref<!tpu.dma_semaphore, #tpu.memory_space<semaphore_mem>>) {add = true}
        %dma_wait3A_87 = arith.constant 0 : i32
        %dma_wait3A_88 = tpu.memref_slice %arg7[%add3A_47, %dma_wait3A_87] : memref<40x128xi32, #tpu.memory_space<vmem>> -> memref<1x128xi32, #tpu.memory_space<vmem>>
        %dma_wait3A_89 = tpu.memref_squeeze %dma_wait3A_88 : memref<1x128xi32, #tpu.memory_space<vmem>> -> memref<128xi32, #tpu.memory_space<vmem>>
        %dma_wait3A_90 = arith.constant 0 : i32
        %dma_wait3A_91 = arith.constant 0 : i32
        %dma_wait3A_92 = tpu.memref_slice %arg10[%dma_wait3A_90, %dma_wait3A_91] : memref<10240x128xf32, #tpu.memory_space<vmem_shared>> -> memref<10240x128xf32, #tpu.memory_space<vmem_shared>>
        tpu.wait_indirect_dma semaphore(%run_scoped3A_80 : memref<!tpu.dma_semaphore, #tpu.memory_space<semaphore_mem>>) src(%arg8 : memref<128x128xf32, #tpu.memory_space<vmem>>) dst(%dma_wait3A_92 : memref<10240x128xf32, #tpu.memory_space<vmem_shared>>)
        tpu.yield
      }) : () -> ()
      %add3A_62 = arith.constant 2 : i32
      %add3A_63 = arith.addi %add3A_47, %add3A_62 : i32
      %dma_start3A_64 = arith.constant 0 : i32
      %dma_start3A_65 = tpu.memref_slice %arg6[%add3A_63, %dma_start3A_64] : memref<40x128xi32, #tpu.memory_space<vmem>> -> memref<1x128xi32, #tpu.memory_space<vmem>>
      %dma_start3A_66 = tpu.memref_squeeze %dma_start3A_65 : memref<1x128xi32, #tpu.memory_space<vmem>> -> memref<128xi32, #tpu.memory_space<vmem>>
      %dma_start3A_67 = arith.constant 0 : i32
      %dma_start3A_68 = arith.constant 0 : i32
      %dma_start3A_69 = tpu.memref_slice %arg2[%dma_start3A_67, %dma_start3A_68] : memref<10240x128xf32, #tpu.memory_space<hbm>> -> memref<10240x128xf32, #tpu.memory_space<hbm>>
      tpu.enqueue_indirect_dma source(%dma_start3A_69 : memref<10240x128xf32, #tpu.memory_space<hbm>>) target(%arg8 : memref<128x128xf32, #tpu.memory_space<vmem>>) offsets(%dma_start3A_66 : memref<128xi32, #tpu.memory_space<vmem>>) semaphore(%arg11 : memref<!tpu.dma_semaphore, #tpu.memory_space<semaphore_mem>>)
      %add3A_70 = arith.constant 1 : i32
      %add3A_71 = arith.addi %add3A_47, %add3A_70 : i32
      %dma_wait3A_72 = arith.constant 0 : i32
      %dma_wait3A_73 = tpu.memref_slice %arg6[%add3A_71, %dma_wait3A_72] : memref<40x128xi32, #tpu.memory_space<vmem>> -> memref<1x128xi32, #tpu.memory_space<vmem>>
      %dma_wait3A_74 = tpu.memref_squeeze %dma_wait3A_73 : memref<1x128xi32, #tpu.memory_space<vmem>> -> memref<128xi32, #tpu.memory_space<vmem>>
      %dma_wait3A_75 = arith.constant 0 : i32
      %dma_wait3A_76 = arith.constant 0 : i32
      %dma_wait3A_77 = tpu.memref_slice %arg2[%dma_wait3A_75, %dma_wait3A_76] : memref<10240x128xf32, #tpu.memory_space<hbm>> -> memref<10240x128xf32, #tpu.memory_space<hbm>>
      tpu.wait_indirect_dma semaphore(%arg12 : memref<!tpu.dma_semaphore, #tpu.memory_space<semaphore_mem>>) src(%dma_wait3A_77 : memref<10240x128xf32, #tpu.memory_space<hbm>>) dst(%arg9 : memref<128x128xf32, #tpu.memory_space<vmem>>)
      %add3A_78 = arith.constant 1 : i32
      %add3A_79 = arith.addi %add3A_47, %add3A_78 : i32
      "tpu.region"() ({
        %run_scoped3A_80 = tpu.sem_alloc : memref<!tpu.dma_semaphore, #tpu.memory_space<semaphore_mem>>
        %dma_start3A_81 = arith.constant 0 : i32
        %dma_start3A_82 = tpu.memref_slice %arg7[%add3A_79, %dma_start3A_81] : memref<40x128xi32, #tpu.memory_space<vmem>> -> memref<1x128xi32, #tpu.memory_space<vmem>>
        %dma_start3A_83 = tpu.memref_squeeze %dma_start3A_82 : memref<1x128xi32, #tpu.memory_space<vmem>> -> memref<128xi32, #tpu.memory_space<vmem>>
        %dma_start3A_84 = arith.constant 0 : i32
        %dma_start3A_85 = arith.constant 0 : i32
        %dma_start3A_86 = tpu.memref_slice %arg10[%dma_start3A_84, %dma_start3A_85] : memref<10240x128xf32, #tpu.memory_space<vmem_shared>> -> memref<10240x128xf32, #tpu.memory_space<vmem_shared>>
        tpu.enqueue_indirect_dma source(%arg9 : memref<128x128xf32, #tpu.memory_space<vmem>>) target(%dma_start3A_86 : memref<10240x128xf32, #tpu.memory_space<vmem_shared>>) offsets(%dma_start3A_83 : memref<128xi32, #tpu.memory_space<vmem>>) semaphore(%run_scoped3A_80 : memref<!tpu.dma_semaphore, #tpu.memory_space<semaphore_mem>>) {add = true}
        %dma_wait3A_87 = arith.constant 0 : i32
        %dma_wait3A_88 = tpu.memref_slice %arg7[%add3A_79, %dma_wait3A_87] : memref<40x128xi32, #tpu.memory_space<vmem>> -> memref<1x128xi32, #tpu.memory_space<vmem>>
        %dma_wait3A_89 = tpu.memref_squeeze %dma_wait3A_88 : memref<1x128xi32, #tpu.memory_space<vmem>> -> memref<128xi32, #tpu.memory_space<vmem>>
        %dma_wait3A_90 = arith.constant 0 : i32
        %dma_wait3A_91 = arith.constant 0 : i32
        %dma_wait3A_92 = tpu.memref_slice %arg10[%dma_wait3A_90, %dma_wait3A_91] : memref<10240x128xf32, #tpu.memory_space<vmem_shared>> -> memref<10240x128xf32, #tpu.memory_space<vmem_shared>>
        tpu.wait_indirect_dma semaphore(%run_scoped3A_80 : memref<!tpu.dma_semaphore, #tpu.memory_space<semaphore_mem>>) src(%arg9 : memref<128x128xf32, #tpu.memory_space<vmem>>) dst(%dma_wait3A_92 : memref<10240x128xf32, #tpu.memory_space<vmem_shared>>)
        tpu.yield
      }) : () -> ()
    }
    %scan3A_15 = arith.constant 19 : i32
    %dma_start3A_16 = arith.constant 39 : i32
    %dma_start3A_17 = arith.constant 0 : i32
    %dma_start3A_18 = tpu.memref_slice %arg6[%dma_start3A_16, %dma_start3A_17] : memref<40x128xi32, #tpu.memory_space<vmem>> -> memref<1x128xi32, #tpu.memory_space<vmem>>
    %dma_start3A_19 = tpu.memref_squeeze %dma_start3A_18 : memref<1x128xi32, #tpu.memory_space<vmem>> -> memref<128xi32, #tpu.memory_space<vmem>>
    %dma_start3A_20 = arith.constant 0 : i32
    %dma_start3A_21 = arith.constant 0 : i32
    %dma_start3A_22 = tpu.memref_slice %arg2[%dma_start3A_20, %dma_start3A_21] : memref<10240x128xf32, #tpu.memory_space<hbm>> -> memref<10240x128xf32, #tpu.memory_space<hbm>>
    tpu.enqueue_indirect_dma source(%dma_start3A_22 : memref<10240x128xf32, #tpu.memory_space<hbm>>) target(%arg9 : memref<128x128xf32, #tpu.memory_space<vmem>>) offsets(%dma_start3A_19 : memref<128xi32, #tpu.memory_space<vmem>>) semaphore(%arg12 : memref<!tpu.dma_semaphore, #tpu.memory_space<semaphore_mem>>)
    %dma_wait3A = arith.constant 38 : i32
    %dma_wait3A_23 = arith.constant 0 : i32
    %dma_wait3A_24 = tpu.memref_slice %arg6[%dma_wait3A, %dma_wait3A_23] : memref<40x128xi32, #tpu.memory_space<vmem>> -> memref<1x128xi32, #tpu.memory_space<vmem>>
    %dma_wait3A_25 = tpu.memref_squeeze %dma_wait3A_24 : memref<1x128xi32, #tpu.memory_space<vmem>> -> memref<128xi32, #tpu.memory_space<vmem>>
    %dma_wait3A_26 = arith.constant 0 : i32
    %dma_wait3A_27 = arith.constant 0 : i32
    %dma_wait3A_28 = tpu.memref_slice %arg2[%dma_wait3A_26, %dma_wait3A_27] : memref<10240x128xf32, #tpu.memory_space<hbm>> -> memref<10240x128xf32, #tpu.memory_space<hbm>>
    tpu.wait_indirect_dma semaphore(%arg11 : memref<!tpu.dma_semaphore, #tpu.memory_space<semaphore_mem>>) src(%dma_wait3A_28 : memref<10240x128xf32, #tpu.memory_space<hbm>>) dst(%arg8 : memref<128x128xf32, #tpu.memory_space<vmem>>)
    %run_scoped3A_29 = arith.constant 38 : i32
    "tpu.region"() ({
      %run_scoped3A_43 = tpu.sem_alloc : memref<!tpu.dma_semaphore, #tpu.memory_space<semaphore_mem>>
      %dma_start3A_44 = arith.constant 0 : i32
      %dma_start3A_45 = tpu.memref_slice %arg7[%run_scoped3A_29, %dma_start3A_44] : memref<40x128xi32, #tpu.memory_space<vmem>> -> memref<1x128xi32, #tpu.memory_space<vmem>>
      %dma_start3A_46 = tpu.memref_squeeze %dma_start3A_45 : memref<1x128xi32, #tpu.memory_space<vmem>> -> memref<128xi32, #tpu.memory_space<vmem>>
      %dma_start3A_47 = arith.constant 0 : i32
      %dma_start3A_48 = arith.constant 0 : i32
      %dma_start3A_49 = tpu.memref_slice %arg10[%dma_start3A_47, %dma_start3A_48] : memref<10240x128xf32, #tpu.memory_space<vmem_shared>> -> memref<10240x128xf32, #tpu.memory_space<vmem_shared>>
      tpu.enqueue_indirect_dma source(%arg8 : memref<128x128xf32, #tpu.memory_space<vmem>>) target(%dma_start3A_49 : memref<10240x128xf32, #tpu.memory_space<vmem_shared>>) offsets(%dma_start3A_46 : memref<128xi32, #tpu.memory_space<vmem>>) semaphore(%run_scoped3A_43 : memref<!tpu.dma_semaphore, #tpu.memory_space<semaphore_mem>>) {add = true}
      %dma_wait3A_50 = arith.constant 0 : i32
      %dma_wait3A_51 = tpu.memref_slice %arg7[%run_scoped3A_29, %dma_wait3A_50] : memref<40x128xi32, #tpu.memory_space<vmem>> -> memref<1x128xi32, #tpu.memory_space<vmem>>
      %dma_wait3A_52 = tpu.memref_squeeze %dma_wait3A_51 : memref<1x128xi32, #tpu.memory_space<vmem>> -> memref<128xi32, #tpu.memory_space<vmem>>
      %dma_wait3A_53 = arith.constant 0 : i32
      %dma_wait3A_54 = arith.constant 0 : i32
      %dma_wait3A_55 = tpu.memref_slice %arg10[%dma_wait3A_53, %dma_wait3A_54] : memref<10240x128xf32, #tpu.memory_space<vmem_shared>> -> memref<10240x128xf32, #tpu.memory_space<vmem_shared>>
      tpu.wait_indirect_dma semaphore(%run_scoped3A_43 : memref<!tpu.dma_semaphore, #tpu.memory_space<semaphore_mem>>) src(%arg8 : memref<128x128xf32, #tpu.memory_space<vmem>>) dst(%dma_wait3A_55 : memref<10240x128xf32, #tpu.memory_space<vmem_shared>>)
      tpu.yield
    }) : () -> ()
    %dma_wait3A_30 = arith.constant 39 : i32
    %dma_wait3A_31 = arith.constant 0 : i32
    %dma_wait3A_32 = tpu.memref_slice %arg6[%dma_wait3A_30, %dma_wait3A_31] : memref<40x128xi32, #tpu.memory_space<vmem>> -> memref<1x128xi32, #tpu.memory_space<vmem>>
    %dma_wait3A_33 = tpu.memref_squeeze %dma_wait3A_32 : memref<1x128xi32, #tpu.memory_space<vmem>> -> memref<128xi32, #tpu.memory_space<vmem>>
    %dma_wait3A_34 = arith.constant 0 : i32
    %dma_wait3A_35 = arith.constant 0 : i32
    %dma_wait3A_36 = tpu.memref_slice %arg2[%dma_wait3A_34, %dma_wait3A_35] : memref<10240x128xf32, #tpu.memory_space<hbm>> -> memref<10240x128xf32, #tpu.memory_space<hbm>>
    tpu.wait_indirect_dma semaphore(%arg12 : memref<!tpu.dma_semaphore, #tpu.memory_space<semaphore_mem>>) src(%dma_wait3A_36 : memref<10240x128xf32, #tpu.memory_space<hbm>>) dst(%arg9 : memref<128x128xf32, #tpu.memory_space<vmem>>)
    %run_scoped3A_37 = arith.constant 39 : i32
    "tpu.region"() ({
      %run_scoped3A_43 = tpu.sem_alloc : memref<!tpu.dma_semaphore, #tpu.memory_space<semaphore_mem>>
      %dma_start3A_44 = arith.constant 0 : i32
      %dma_start3A_45 = tpu.memref_slice %arg7[%run_scoped3A_37, %dma_start3A_44] : memref<40x128xi32, #tpu.memory_space<vmem>> -> memref<1x128xi32, #tpu.memory_space<vmem>>
      %dma_start3A_46 = tpu.memref_squeeze %dma_start3A_45 : memref<1x128xi32, #tpu.memory_space<vmem>> -> memref<128xi32, #tpu.memory_space<vmem>>
      %dma_start3A_47 = arith.constant 0 : i32
      %dma_start3A_48 = arith.constant 0 : i32
      %dma_start3A_49 = tpu.memref_slice %arg10[%dma_start3A_47, %dma_start3A_48] : memref<10240x128xf32, #tpu.memory_space<vmem_shared>> -> memref<10240x128xf32, #tpu.memory_space<vmem_shared>>
      tpu.enqueue_indirect_dma source(%arg9 : memref<128x128xf32, #tpu.memory_space<vmem>>) target(%dma_start3A_49 : memref<10240x128xf32, #tpu.memory_space<vmem_shared>>) offsets(%dma_start3A_46 : memref<128xi32, #tpu.memory_space<vmem>>) semaphore(%run_scoped3A_43 : memref<!tpu.dma_semaphore, #tpu.memory_space<semaphore_mem>>) {add = true}
      %dma_wait3A_50 = arith.constant 0 : i32
      %dma_wait3A_51 = tpu.memref_slice %arg7[%run_scoped3A_37, %dma_wait3A_50] : memref<40x128xi32, #tpu.memory_space<vmem>> -> memref<1x128xi32, #tpu.memory_space<vmem>>
      %dma_wait3A_52 = tpu.memref_squeeze %dma_wait3A_51 : memref<1x128xi32, #tpu.memory_space<vmem>> -> memref<128xi32, #tpu.memory_space<vmem>>
      %dma_wait3A_53 = arith.constant 0 : i32
      %dma_wait3A_54 = arith.constant 0 : i32
      %dma_wait3A_55 = tpu.memref_slice %arg10[%dma_wait3A_53, %dma_wait3A_54] : memref<10240x128xf32, #tpu.memory_space<vmem_shared>> -> memref<10240x128xf32, #tpu.memory_space<vmem_shared>>
      tpu.wait_indirect_dma semaphore(%run_scoped3A_43 : memref<!tpu.dma_semaphore, #tpu.memory_space<semaphore_mem>>) src(%arg9 : memref<128x128xf32, #tpu.memory_space<vmem>>) dst(%dma_wait3A_55 : memref<10240x128xf32, #tpu.memory_space<vmem_shared>>)
      tpu.yield
    }) : () -> ()
    %barrier3A_38 = arith.constant 0 : index
    tpu.barrier barrier_id(%barrier3A_38)
    %mul3A_39 = arith.constant 640 : i32
    %mul3A_40 = arith.muli %arg1, %mul3A_39 : i32
    %mul3A_41 = arith.constant 640 : i32
    %mul3A_42 = arith.muli %arg1, %mul3A_41 : i32
    "tpu.region"() ({
      %run_scoped3A_43 = tpu.sem_alloc : memref<!tpu.dma_semaphore, #tpu.memory_space<semaphore_mem>>
      %dma_start3A_44 = arith.constant 0 : i32
      %dma_start3A_45 = tpu.memref_slice %arg5[%arg0, %mul3A_42, %dma_start3A_44] : memref<2x10240x128xf32, #tpu.memory_space<hbm>> -> memref<1x640x128xf32, #tpu.memory_space<hbm>>
      %dma_start3A_46 = tpu.memref_squeeze %dma_start3A_45 : memref<1x640x128xf32, #tpu.memory_space<hbm>> -> memref<640x128xf32, #tpu.memory_space<hbm>>
      %dma_start3A_47 = arith.constant 0 : i32
      %dma_start3A_48 = tpu.memref_slice %arg10[%mul3A_40, %dma_start3A_47] : memref<10240x128xf32, #tpu.memory_space<vmem_shared>> -> memref<640x128xf32, #tpu.memory_space<vmem_shared>>
      tpu.enqueue_dma source(%dma_start3A_48 : memref<640x128xf32, #tpu.memory_space<vmem_shared>>) target(%dma_start3A_46 : memref<640x128xf32, #tpu.memory_space<hbm>>) target_semaphore(%run_scoped3A_43 : memref<!tpu.dma_semaphore, #tpu.memory_space<semaphore_mem>>)
      %dma_wait3A_49 = arith.constant 0 : i32
      %dma_wait3A_50 = tpu.memref_slice %arg5[%arg0, %mul3A_42, %dma_wait3A_49] : memref<2x10240x128xf32, #tpu.memory_space<hbm>> -> memref<1x640x128xf32, #tpu.memory_space<hbm>>
      %dma_wait3A_51 = tpu.memref_squeeze %dma_wait3A_50 : memref<1x640x128xf32, #tpu.memory_space<hbm>> -> memref<640x128xf32, #tpu.memory_space<hbm>>
      %dma_wait3A_52 = arith.constant 0 : i32
      %dma_wait3A_53 = tpu.memref_slice %arg10[%mul3A_40, %dma_wait3A_52] : memref<10240x128xf32, #tpu.memory_space<vmem_shared>> -> memref<640x128xf32, #tpu.memory_space<vmem_shared>>
      tpu.wait_dma2 semaphore(%run_scoped3A_43 : memref<!tpu.dma_semaphore, #tpu.memory_space<semaphore_mem>>) src(%dma_wait3A_53 : memref<640x128xf32, #tpu.memory_space<vmem_shared>>) dst(%dma_wait3A_51 : memref<640x128xf32, #tpu.memory_space<hbm>>)
      tpu.yield
    }) : () -> ()
    return
  }
}

module attributes {stable_mosaic.version = 14 : i64} {
  func.func @body(%arg0: i32, %arg1: memref<2048x256xf32, #tpu.memory_space<vmem>>, %arg2: memref<256x128xf32, #tpu.memory_space<vmem>>, %arg3: memref<2x2048xf32, #tpu.memory_space<vmem>>, %arg4: memref<2048x128xf32, #tpu.memory_space<vmem>>, %arg5: memref<2048x1xf32, #tpu.memory_space<vmem>>) attributes {dimension_semantics = [#tpu.dimension_semantics<arbitrary>], iteration_bounds = array<i64: 5>, scalar_prefetch = 0 : i64, scratch_operands = 0 : i64, tpu.core_type = #tpu.core_type<tc>, window_params = [{transform_indices = @transform_0, window_bounds = array<i64: 2048, 256>}, {pipeline_mode = #tpu.pipeline_mode<synchronous>, transform_indices = @transform_1, window_bounds = array<i64: 256, 128>}, {transform_indices = @transform_2, window_bounds = array<i64: 2, 2048>}, {transform_indices = @transform_3, window_bounds = array<i64: 2048, 128>}, {transform_indices = @transform_4, window_bounds = array<i64: 2048, 1>}]} {
    %get3A = arith.constant 0 : index
    %get3A_0 = arith.constant 0 : index
    %get3A_1 = vector.load %arg3[%get3A, %get3A_0] : memref<2x2048xf32, #tpu.memory_space<vmem>>, vector<2x2048xf32>
    %transpose3A = tpu.transpose %get3A_1, [1, 0] : vector<2x2048xf32> -> vector<2048x2xf32>
    %slice3A = vector.extract_strided_slice %transpose3A {offsets = [0, 0], sizes = [2048, 1], strides = [1, 1]} : vector<2048x2xf32> to vector<2048x1xf32>
    %slice3A_2 = vector.extract_strided_slice %transpose3A {offsets = [0, 1], sizes = [2048, 1], strides = [1, 1]} : vector<2048x2xf32> to vector<2048x1xf32>
    %add3A = arith.addf %slice3A, %slice3A_2 : vector<2048x1xf32>
    %add3A_3 = arith.constant 1.000000e+00 : f32
    %add3A_4 = vector.broadcast %add3A_3 : f32 to vector<2048x1xf32>
    %add3A_5 = arith.addf %add3A, %add3A_4 : vector<2048x1xf32>
    %rsqrt3A = math.rsqrt %add3A_5 : vector<2048x1xf32>
    %get3A_6 = arith.constant 0 : index
    %get3A_7 = arith.constant 0 : index
    %get3A_8 = vector.load %arg1[%get3A_6, %get3A_7] : memref<2048x256xf32, #tpu.memory_space<vmem>>, vector<2048x256xf32>
    %get3A_9 = arith.constant 0 : index
    %get3A_10 = arith.constant 0 : index
    %get3A_11 = vector.load %arg2[%get3A_9, %get3A_10] : memref<256x128xf32, #tpu.memory_space<vmem>>, vector<256x128xf32>
    %dot_general3A = arith.constant dense<0.000000e+00> : vector<2048x128xf32>
    %dot_general3A_12 = tpu.matmul %get3A_8, %get3A_11, %dot_general3A {dimension_numbers = #tpu.dot_dimension_numbers<[1], [0], [0], [1], [0, 0, 1, 1], [], []>, transpose_lhs_hint = false} : vector<2048x256xf32>, vector<256x128xf32>, vector<2048x128xf32> -> vector<2048x128xf32>
    %mul3A = vector.broadcast %rsqrt3A : vector<2048x1xf32> to vector<2048x128xf32>
    %mul3A_13 = arith.mulf %dot_general3A_12, %mul3A : vector<2048x128xf32>
    %swap3A = arith.constant 0 : index
    %swap3A_14 = arith.constant 0 : index
    %swap3A_15 = vector.load %arg4[%swap3A, %swap3A_14] : memref<2048x128xf32, #tpu.memory_space<vmem>>, vector<2048x128xf32>
    tpu.vector_store %arg4[%swap3A, %swap3A_14], %mul3A_13 {strides = array<i32>} : memref<2048x128xf32, #tpu.memory_space<vmem>>, vector<2048x128xf32>,
    %swap3A_16 = arith.constant 0 : index
    %swap3A_17 = arith.constant 0 : index
    %swap3A_18 = vector.load %arg5[%swap3A_16, %swap3A_17] : memref<2048x1xf32, #tpu.memory_space<vmem>>, vector<2048x1xf32>
    tpu.vector_store %arg5[%swap3A_16, %swap3A_17], %rsqrt3A {strides = array<i32>} : memref<2048x1xf32, #tpu.memory_space<vmem>>, vector<2048x1xf32>,
    return
  }
  func.func @transform_0(%arg0: i32) -> (i32, i32) {
    %c0_i32 = arith.constant 0 : i32
    %c0_i32_0 = arith.constant 0 : i32
    return %arg0, %c0_i32 : i32, i32
  }
  func.func @transform_1(%arg0: i32) -> (i32, i32) {
    %c0_i32 = arith.constant 0 : i32
    %c0_i32_0 = arith.constant 0 : i32
    %c0_i32_1 = arith.constant 0 : i32
    return %c0_i32, %c0_i32_0 : i32, i32
  }
  func.func @transform_2(%arg0: i32) -> (i32, i32) {
    %c0_i32 = arith.constant 0 : i32
    %c0_i32_0 = arith.constant 0 : i32
    return %c0_i32, %arg0 : i32, i32
  }
  func.func @transform_3(%arg0: i32) -> (i32, i32) {
    %c0_i32 = arith.constant 0 : i32
    %c0_i32_0 = arith.constant 0 : i32
    return %arg0, %c0_i32 : i32, i32
  }
  func.func @transform_4(%arg0: i32) -> (i32, i32) {
    %c0_i32 = arith.constant 0 : i32
    %c0_i32_0 = arith.constant 0 : i32
    return %arg0, %c0_i32 : i32, i32
  }
}

module attributes {stable_mosaic.version = 14 : i64} {
  func.func @body(%arg0: i32, %arg1: memref<2x2048x128xf32, #tpu.memory_space<vmem>>, %arg2: memref<2048x128xf32, #tpu.memory_space<vmem>>, %arg3: memref<2048x1xf32, #tpu.memory_space<vmem>>, %arg4: memref<1x128xf32, #tpu.memory_space<vmem>>, %arg5: memref<2048x128xf32, #tpu.memory_space<vmem>>) attributes {dimension_semantics = [#tpu.dimension_semantics<arbitrary>], iteration_bounds = array<i64: 5>, scalar_prefetch = 0 : i64, scratch_operands = 0 : i64, tpu.core_type = #tpu.core_type<tc>, window_params = [{transform_indices = @transform_0, window_bounds = array<i64: 2, 2048, 128>}, {transform_indices = @transform_1, window_bounds = array<i64: 2048, 128>}, {transform_indices = @transform_2, window_bounds = array<i64: 2048, 1>}, {pipeline_mode = #tpu.pipeline_mode<synchronous>, transform_indices = @transform_3, window_bounds = array<i64: 1, 128>}, {transform_indices = @transform_4, window_bounds = array<i64: 2048, 128>}]} {
    %get3A = arith.constant 0 : index
    %get3A_0 = arith.constant 0 : index
    %get3A_1 = arith.constant 0 : index
    %get3A_2 = vector.load %arg1[%get3A, %get3A_0, %get3A_1] : memref<2x2048x128xf32, #tpu.memory_space<vmem>>, vector<1x2048x128xf32>
    %get3A_3 = vector.shape_cast %get3A_2 : vector<1x2048x128xf32> to vector<2048x128xf32>
    %get3A_4 = arith.constant 1 : index
    %get3A_5 = arith.constant 0 : index
    %get3A_6 = arith.constant 0 : index
    %get3A_7 = vector.load %arg1[%get3A_4, %get3A_5, %get3A_6] : memref<2x2048x128xf32, #tpu.memory_space<vmem>>, vector<1x2048x128xf32>
    %get3A_8 = vector.shape_cast %get3A_7 : vector<1x2048x128xf32> to vector<2048x128xf32>
    %add3A = arith.addf %get3A_3, %get3A_8 : vector<2048x128xf32>
    %get3A_9 = arith.constant 0 : index
    %get3A_10 = arith.constant 0 : index
    %get3A_11 = vector.load %arg2[%get3A_9, %get3A_10] : memref<2048x128xf32, #tpu.memory_space<vmem>>, vector<2048x128xf32>
    %add3A_12 = arith.addf %add3A, %get3A_11 : vector<2048x128xf32>
    %get3A_13 = arith.constant 0 : index
    %get3A_14 = arith.constant 0 : index
    %get3A_15 = vector.load %arg3[%get3A_13, %get3A_14] : memref<2048x1xf32, #tpu.memory_space<vmem>>, vector<2048x1xf32>
    %mul3A = vector.broadcast %get3A_15 : vector<2048x1xf32> to vector<2048x128xf32>
    %mul3A_16 = arith.mulf %mul3A, %add3A_12 : vector<2048x128xf32>
    %get3A_17 = arith.constant 0 : index
    %get3A_18 = arith.constant 0 : index
    %get3A_19 = vector.load %arg4[%get3A_17, %get3A_18] : memref<1x128xf32, #tpu.memory_space<vmem>>, vector<1x128xf32>
    %add3A_20 = vector.broadcast %get3A_19 : vector<1x128xf32> to vector<2048x128xf32>
    %add3A_21 = arith.addf %mul3A_16, %add3A_20 : vector<2048x128xf32>
    %max3A = arith.constant 0.000000e+00 : f32
    %max3A_22 = vector.broadcast %max3A : f32 to vector<2048x128xf32>
    %max3A_23 = arith.maximumf %add3A_21, %max3A_22 : vector<2048x128xf32>
    %mul3A_24 = vector.broadcast %get3A_15 : vector<2048x1xf32> to vector<2048x128xf32>
    %mul3A_25 = arith.mulf %max3A_23, %mul3A_24 : vector<2048x128xf32>
    %swap3A = arith.constant 0 : index
    %swap3A_26 = arith.constant 0 : index
    %swap3A_27 = vector.load %arg5[%swap3A, %swap3A_26] : memref<2048x128xf32, #tpu.memory_space<vmem>>, vector<2048x128xf32>
    tpu.vector_store %arg5[%swap3A, %swap3A_26], %mul3A_25 {strides = array<i32>} : memref<2048x128xf32, #tpu.memory_space<vmem>>, vector<2048x128xf32>,
    return
  }
  func.func @transform_0(%arg0: i32) -> (i32, i32, i32) {
    %c0_i32 = arith.constant 0 : i32
    %c0_i32_0 = arith.constant 0 : i32
    %c0_i32_1 = arith.constant 0 : i32
    return %c0_i32, %arg0, %c0_i32_0 : i32, i32, i32
  }
  func.func @transform_1(%arg0: i32) -> (i32, i32) {
    %c0_i32 = arith.constant 0 : i32
    %c0_i32_0 = arith.constant 0 : i32
    return %arg0, %c0_i32 : i32, i32
  }
  func.func @transform_2(%arg0: i32) -> (i32, i32) {
    %c0_i32 = arith.constant 0 : i32
    %c0_i32_0 = arith.constant 0 : i32
    return %arg0, %c0_i32 : i32, i32
  }
  func.func @transform_3(%arg0: i32) -> (i32, i32) {
    %c0_i32 = arith.constant 0 : i32
    %c0_i32_0 = arith.constant 0 : i32
    %c0_i32_1 = arith.constant 0 : i32
    return %c0_i32, %c0_i32_0 : i32, i32
  }
  func.func @transform_4(%arg0: i32) -> (i32, i32) {
    %c0_i32 = arith.constant 0 : i32
    %c0_i32_0 = arith.constant 0 : i32
    return %arg0, %c0_i32 : i32, i32
  }
}

module attributes {stable_mosaic.version = 14 : i64} {
  func.func @body(%arg0: i32, %arg1: memref<2x2000x128xf32, #tpu.memory_space<vmem>>, %arg2: memref<2000x128xf32, #tpu.memory_space<vmem>>, %arg3: memref<2000x1xf32, #tpu.memory_space<vmem>>, %arg4: memref<128x256xf32, #tpu.memory_space<vmem>>, %arg5: memref<1x256xf32, #tpu.memory_space<vmem>>, %arg6: memref<2000x256xf32, #tpu.memory_space<vmem>>) attributes {dimension_semantics = [#tpu.dimension_semantics<arbitrary>], iteration_bounds = array<i64: 5>, scalar_prefetch = 0 : i64, scratch_operands = 0 : i64, tpu.core_type = #tpu.core_type<tc>, window_params = [{transform_indices = @transform_0, window_bounds = array<i64: 2, 2000, 128>}, {transform_indices = @transform_1, window_bounds = array<i64: 2000, 128>}, {transform_indices = @transform_2, window_bounds = array<i64: 2000, 1>}, {pipeline_mode = #tpu.pipeline_mode<synchronous>, transform_indices = @transform_3, window_bounds = array<i64: 128, 256>}, {pipeline_mode = #tpu.pipeline_mode<synchronous>, transform_indices = @transform_4, window_bounds = array<i64: 1, 256>}, {transform_indices = @transform_5, window_bounds = array<i64: 2000, 256>}]} {
    %get3A = arith.constant 0 : index
    %get3A_0 = arith.constant 0 : index
    %get3A_1 = vector.load %arg3[%get3A, %get3A_0] : memref<2000x1xf32, #tpu.memory_space<vmem>>, vector<2000x1xf32>
    %get3A_2 = arith.constant 0 : index
    %get3A_3 = arith.constant 0 : index
    %get3A_4 = arith.constant 0 : index
    %get3A_5 = vector.load %arg1[%get3A_2, %get3A_3, %get3A_4] : memref<2x2000x128xf32, #tpu.memory_space<vmem>>, vector<1x2000x128xf32>
    %get3A_6 = vector.shape_cast %get3A_5 : vector<1x2000x128xf32> to vector<2000x128xf32>
    %get3A_7 = arith.constant 1 : index
    %get3A_8 = arith.constant 0 : index
    %get3A_9 = arith.constant 0 : index
    %get3A_10 = vector.load %arg1[%get3A_7, %get3A_8, %get3A_9] : memref<2x2000x128xf32, #tpu.memory_space<vmem>>, vector<1x2000x128xf32>
    %get3A_11 = vector.shape_cast %get3A_10 : vector<1x2000x128xf32> to vector<2000x128xf32>
    %add3A = arith.addf %get3A_6, %get3A_11 : vector<2000x128xf32>
    %get3A_12 = arith.constant 0 : index
    %get3A_13 = arith.constant 0 : index
    %get3A_14 = vector.load %arg2[%get3A_12, %get3A_13] : memref<2000x128xf32, #tpu.memory_space<vmem>>, vector<2000x128xf32>
    %add3A_15 = arith.addf %add3A, %get3A_14 : vector<2000x128xf32>
    %mul3A = vector.broadcast %get3A_1 : vector<2000x1xf32> to vector<2000x128xf32>
    %mul3A_16 = arith.mulf %mul3A, %add3A_15 : vector<2000x128xf32>
    %get3A_17 = arith.constant 0 : index
    %get3A_18 = arith.constant 0 : index
    %get3A_19 = vector.load %arg4[%get3A_17, %get3A_18] : memref<128x256xf32, #tpu.memory_space<vmem>>, vector<128x256xf32>
    %dot_general3A = arith.constant dense<0.000000e+00> : vector<2000x256xf32>
    %dot_general3A_20 = tpu.matmul %mul3A_16, %get3A_19, %dot_general3A {dimension_numbers = #tpu.dot_dimension_numbers<[1], [0], [0], [1], [0, 0, 1, 1], [], []>, transpose_lhs_hint = false} : vector<2000x128xf32>, vector<128x256xf32>, vector<2000x256xf32> -> vector<2000x256xf32>
    %get3A_21 = arith.constant 0 : index
    %get3A_22 = arith.constant 0 : index
    %get3A_23 = vector.load %arg5[%get3A_21, %get3A_22] : memref<1x256xf32, #tpu.memory_space<vmem>>, vector<1x256xf32>
    %add3A_24 = vector.broadcast %get3A_23 : vector<1x256xf32> to vector<2000x256xf32>
    %add3A_25 = arith.addf %dot_general3A_20, %add3A_24 : vector<2000x256xf32>
    %swap3A = arith.constant 0 : index
    %swap3A_26 = arith.constant 0 : index
    %swap3A_27 = vector.load %arg6[%swap3A, %swap3A_26] : memref<2000x256xf32, #tpu.memory_space<vmem>>, vector<2000x256xf32>
    tpu.vector_store %arg6[%swap3A, %swap3A_26], %add3A_25 {strides = array<i32>} : memref<2000x256xf32, #tpu.memory_space<vmem>>, vector<2000x256xf32>,
    return
  }
  func.func @transform_0(%arg0: i32) -> (i32, i32, i32) {
    %c0_i32 = arith.constant 0 : i32
    %c0_i32_0 = arith.constant 0 : i32
    %c0_i32_1 = arith.constant 0 : i32
    return %c0_i32, %arg0, %c0_i32_0 : i32, i32, i32
  }
  func.func @transform_1(%arg0: i32) -> (i32, i32) {
    %c0_i32 = arith.constant 0 : i32
    %c0_i32_0 = arith.constant 0 : i32
    return %arg0, %c0_i32 : i32, i32
  }
  func.func @transform_2(%arg0: i32) -> (i32, i32) {
    %c0_i32 = arith.constant 0 : i32
    %c0_i32_0 = arith.constant 0 : i32
    return %arg0, %c0_i32 : i32, i32
  }
  func.func @transform_3(%arg0: i32) -> (i32, i32) {
    %c0_i32 = arith.constant 0 : i32
    %c0_i32_0 = arith.constant 0 : i32
    %c0_i32_1 = arith.constant 0 : i32
    return %c0_i32, %c0_i32_0 : i32, i32
  }
  func.func @transform_4(%arg0: i32) -> (i32, i32) {
    %c0_i32 = arith.constant 0 : i32
    %c0_i32_0 = arith.constant 0 : i32
    %c0_i32_1 = arith.constant 0 : i32
    return %c0_i32, %c0_i32_0 : i32, i32
  }
  func.func @transform_5(%arg0: i32) -> (i32, i32) {
    %c0_i32 = arith.constant 0 : i32
    %c0_i32_0 = arith.constant 0 : i32
    return %arg0, %c0_i32 : i32, i32
  }
}

</mosaic_0001>

<sc_bundles>
// kernel: kernel.11.cloned.1.call-start
scs
__scs_entry_jumppad:
0x0: {  	(pc) =	sbr.rel $0x88, $3  }
0x1: {  	(tag) =	ssettag $0x0;
	lr =	simm.s32 $0x1  }
0x2: {  	[smem:$0x3F9B] =	sst lr;
	_ =	strace $0xD0000000  }
0x3: {  	_ = 	snop  }
0x4: {  	_ = 	snop  }
0x5: {  	_ = 	snop  }
0x6: {  	_ = 	snop  }
0x7: {  	_ = 	snop  }
__scs_overlays_trampoline_lowered:
0x8: {  	[smem:$0x3FAA] =	sst s0  }
0x9: {  	[smem:$0x3FAB] =	sst s1  }
0xa: {  	[smem:$0x3FAC] =	sst s2  }
0xb: {  	[smem:$0x3FAD] =	sst s3  }
0xc: {  	[smem:$0x3FAE] =	sst s4  }
0xd: {  	[smem:$0x3FAF] =	sst s5  }
0xe: {  	[smem:$0x3FB0] =	sst s6  }
0xf: {  	[smem:$0x3FB1] =	sst s7  }
0x10: {  	[smem:$0x3FB2] =	sst s8  }
0x11: {  	[smem:$0x3FB3] =	sst s9;
	s0 =	simm.s32 @!p0 $0x0  }
0x12: {  	s1 =	sld [smem:$0x3F99];
	s0 =	simm.s32 @p0 $0x1  }
0x13: {  	[smem:$0x3FB4] =	sst s0;
	s0 =	simm.s32 @!p1 $0x0  }
0x14: {  	s2 =	sld [smem:$0x3F98];
	s0 =	simm.s32 @p1 $0x1  }
0x15: {  	[smem:$0x3FB5] =	sst s0;
	s0 =	simm.s32 @!p2 $0x0  }
0x16: {  	s3 =	sld [smem:$0x3FDB];
	s0 =	simm.s32 @p2 $0x1  }
0x17: {  	s4 =	simm.s32 $0x1BF5;
	[smem:$0x3FB7] =	sst s0  }
0x18: {  	s0 =	sld [smem:$0x3F9A];
	_ =	swait.ge [sflag:s4], $0x0  }
0x19: {  	s7 =	sld [smem:$0x3F9B]  }
0x1a: {  	s8 =	sadd.s32 $0xFFFFE003, lr  }
0x1b: {  	s9 =	sadd.s32 $0xFFFFFEF7, lr;
	s5 =	simm.s32 $0xFFFFFFFF;
	p2 =	slt.u32 s8, $0xFFFFF086  }
0x1c: {  	p1 =	slt.u32 s9, $0xF7A;
	s5 =	simm.s32 @!p2 $0x0  }
0x1d: {  	s5 =	simm.s32 @p1 $0x1;
	p0 =	seq.s32 s7, s2  }
0x1e: {  	s7 =	smul.u32 @!p0 $0xF7A, s2;
	p2 =	seq.s32 @!p0 s5, $0x0  }
0x1f: {  	s9 =	smul.u32 $0xF7A, s1;
	s8 =	simm.s32 @!p0 $0x1BF5;
	p2 =	por !p2, p0  }
0x20: {  	[sflag:s8] =	ssyncset.s32 @!p0 $0xFFFFF086;
	s6 =	sadd.s32 @!p0 s3, s7;
	s7 =	simm.s32 @!p0 $0x108  }
0x21: {  	s3 =	sadd.s32 s3, s9;
	s6 =	sadd.s32 @!p0 $0x88, s6;
	s7 =	simm.s32 @p2 $0x1082  }
0x22: {  	[simem:s7], [sflag:s8] =	dma.local @!p0 [hbm:s6], $0xF7A  }
0x23: {  	s9 =	sor.u32 $0xD0000000, s2;
	s6 =	simm.s32 $0x108;
	_ =	swait.ge @!p0 [sflag:s8], $0x0  }
0x24: {  	s3 =	sadd.s32 $0x88, s3;
	s6 =	simm.s32 @!p1 $0x1082;
	[sflag:s4] =	ssyncset.s32 $0xFFFFF086  }
0x25: {  	[simem:s6], [sflag:s4] =	dma.local [hbm:s3], $0xF7A  }
0x26: {  	[smem:$0x3F9B] =	sst s1;
	(tag) =	ssettag s2;
	_ =	strace s9  }
0x27: {  	s1 =	sld [smem:$0x3FAB]  }
0x28: {  	s2 =	sld [smem:$0x3FAC]  }
0x29: {  	s4 =	sld [smem:$0x3FAE]  }
0x2a: {  	p0 =	seq.s32 s5, $0x0;
	s5 =	sld [smem:$0x3FAF]  }
0x2b: {  	s6 =	sld [smem:$0x3FB0]  }
0x2c: {  	s7 =	sld [smem:$0x3FB1]  }
0x2d: {  	s3 =	simm.s32 $0x108;
	s8 =	sld [smem:$0x3FB2]  }
0x2e: {  	s3 =	simm.s32 @!p0 $0x1082;
	s9 =	sld [smem:$0x3FB3]  }
0x2f: {  	lr =	sadd.s32 s0, s3;
	s0 =	sld [smem:$0x3FAA]  }
0x30: {  	s3 =	sld [smem:$0x3FAD]  }
0x31: {  	[smem:$0x3FB6] =	sst s10  }
0x32: {  	s10 =	sld [smem:$0x3FB4];
	_ =	sdelay $0x3  }
0x33: {  	p0 =	seq.s32 s10, $0x1;
	s10 =	sld [smem:$0x3FB6];
	_ =	sdelay $0x3  }
0x34: {  	[smem:$0x3FB6] =	sst s10  }
0x35: {  	s10 =	sld [smem:$0x3FB5];
	_ =	sdelay $0x3  }
0x36: {  	p1 =	seq.s32 s10, $0x1;
	s10 =	sld [smem:$0x3FB6];
	_ =	sdelay $0x3  }
0x37: {  	[smem:$0x3FB6] =	sst s10  }
0x38: {  	s10 =	sld [smem:$0x3FB7]  }
0x39: {  	_ = 	snop;
	(pc) =	sbr.ind lr, $3  }
0x3a: {  	_ = 	snop  }
0x3b: {  	_ = 	snop  }
0x3c: {  	p2 =	seq.s32 s10, $0x1;
	s10 =	sld [smem:$0x3FB6]  }
0x3d: {  	_ =	shalt  }
0x3e: {  	_ =	shalt  }
0x3f: {  	_ =	shalt  }
0x40: {  	_ =	shalt  }
0x41: {  	_ =	shalt  }
0x42: {  	_ =	shalt  }
0x43: {  	_ =	shalt  }
0x44: {  	_ =	shalt  }
0x45: {  	_ =	shalt  }
0x46: {  	_ =	shalt  }
0x47: {  	_ =	shalt  }
0x48: {  	_ =	shalt  }
0x49: {  	_ =	shalt  }
0x4a: {  	_ =	shalt  }
0x4b: {  	_ =	shalt  }
0x4c: {  	_ =	shalt  }
0x4d: {  	_ =	shalt  }
0x4e: {  	_ =	shalt  }
0x4f: {  	_ =	shalt  }
0x50: {  	_ =	shalt  }
0x51: {  	_ =	shalt  }
0x52: {  	_ =	shalt  }
0x53: {  	_ =	shalt  }
0x54: {  	_ =	shalt  }
0x55: {  	_ =	shalt  }
0x56: {  	_ =	shalt  }
0x57: {  	_ =	shalt  }
0x58: {  	_ =	shalt  }
0x59: {  	_ =	shalt  }
0x5a: {  	_ =	shalt  }
0x5b: {  	_ =	shalt  }
0x5c: {  	_ =	shalt  }
0x5d: {  	_ =	shalt  }
0x5e: {  	_ =	shalt  }
0x5f: {  	_ =	shalt  }
0x60: {  	_ =	shalt  }
0x61: {  	_ =	shalt  }
0x62: {  	_ =	shalt  }
0x63: {  	_ =	shalt  }
0x64: {  	_ =	shalt  }
0x65: {  	_ =	shalt  }
0x66: {  	_ =	shalt  }
0x67: {  	_ =	shalt  }
0x68: {  	_ =	shalt  }
0x69: {  	_ =	shalt  }
0x6a: {  	_ =	shalt  }
0x6b: {  	_ =	shalt  }
0x6c: {  	_ =	shalt  }
0x6d: {  	_ =	shalt  }
0x6e: {  	_ =	shalt  }
0x6f: {  	_ =	shalt  }
0x70: {  	_ =	shalt  }
0x71: {  	_ =	shalt  }
0x72: {  	_ =	shalt  }
0x73: {  	_ =	shalt  }
0x74: {  	_ =	shalt  }
0x75: {  	_ =	shalt  }
0x76: {  	_ =	shalt  }
0x77: {  	_ =	shalt  }
0x78: {  	_ =	shalt  }
0x79: {  	_ =	shalt  }
0x7a: {  	_ =	shalt  }
0x7b: {  	_ =	shalt  }
0x7c: {  	_ =	shalt  }
0x7d: {  	_ =	shalt  }
0x7e: {  	_ =	shalt  }
0x7f: {  	_ =	shalt  }
0x80: {  	_ =	shalt  }
0x81: {  	_ =	shalt  }
0x82: {  	_ =	shalt  }
0x83: {  	_ =	shalt  }
0x84: {  	_ =	shalt  }
0x85: {  	_ =	shalt  }
0x86: {  	_ =	shalt  }
0x87: {  	_ =	shalt  }
.Lfunc_end0:
.L_simem_size_0:
called_computation.1_lowered:
.L_overlay_start_0:
0x88: {  	s2 =	sld [smem:$0x3FD9]  }
0x89: {  	s3 =	sld [smem:$0x3FFE];
	_ =	sdelay $0x1  }
0x8a: {  	s1 =	srdreg.scid  }
0x8b: {  	s0 =	sand.u32 $0x1, s1  }
0x8c: {  	s17 =	sshll.u32 s0, $0xA;
	s2 =	sadd.s32 s3, s2  }
0x8d: {  	s2 =	sadd.s32 s2, s17  }
0x8e: {  	[smem:$0x3FC2] =	sst s2  }
0x8f: {  	_ = 	snop  }
0x90: {  	s2 =	sld [smem:$0x3FD0];
	(tm) =	ssettm $0x1  }
0x91: {  	s18 =	sld [smem:$0x3FFB];
	_ =	sdelay $0x3  }
0x92: {  	_ =	strace s18  }
0x93: {  	s3 =	sld [smem:$0x3FFC];
	_ =	sdelay $0x3  }
0x94: {  	_ =	strace s3  }
0x95: {  	s3 =	sld [smem:$0x3FFD];
	_ =	sdelay $0x3  }
0x96: {  	_ =	strace s3  }
0x97: {  	_ =	strace $0x8FFFFFFF  }
0x98: {  	s19 =	sld [smem:$0x3FDB];
	_ =	sdelay $0x1  }
0x99: {  	s4 =	simm.s32 $_scs_section_size  }
0x9a: {  	s5 =	simm.s32 $_size__tile_overlayer_lowered;
	s6 =	simm.s32 $_tile_overlayer_lowered  }
0x9b: {  	s22 =	simm.s32 $0x1BFF;
	s21 =	sshll.u32 s6, $0x1;
	s3 =	sadd.s32 s4, s19  }
0x9c: {  	s7 =	simm.s32 $0x0;
	s20 =	sshll.u32 s5, $0x1;
	s5 =	sadd.s32 s21, s3  }
0x9d: {  	[timem:s7], [sflag:s22] =	dma.local [hbm:s5], s20  }
0x9e: {  	_ =	swait.ge [sflag:s22], s20  }
0x9f: {  	s4 =	ssub.s32 $0x0, s20;
	[sflag:s22] =	ssyncset.done $0x0  }
0xa0: {  	[sflag:s22] =	ssyncadd.s32 s4;
	_ =	sdelay $0x1  }
0xa1: {  	s23 =	simm.s32 $0x1B8B  }
0xa2: {  	_ =	swait.ge [sflag:s23], $0x1  }
0xa3: {  	[sflag:s23] =	ssyncset.done $0x0  }
0xa4: {  	s25 =	simm.s32 $0x1B8E;
	s24 =	sld [smem:$0x3FFE];
	[sflag:s23] =	ssyncadd.s32 $0xFFFFFFFF  }
0xa5: {  	s26 =	simm.s32 $execute0_lowered;
	[smem:$0x3FD2] =	sst s25  }
0xa6: {  	s5 =	sshll.u32 s26, $0x1;
	_ =	strace $0x80000049;
	[dreg:$0x1] =	wrdreg $0xFFFFFFFF  }
0xa7: {  	s28 =	simm.s32 $_size_execute0_lowered;
	s3 =	sadd.s32 s3, s5;
	[dreg:$0x0] =	wrdreg $0x0  }
0xa8: {  	s5 =	sshll.u32 s28, $0x1;
	[dreg:$0x2] =	wrdreg s3  }
0xa9: {  	[dreg:$0x3] =	wrdreg s5  }
0xaa: {  	[dreg:$0x4] =	wrdreg $0xC0  }
0xab: {  	_ =	task [dreg:s7], $0x5FFFF  }
0xac: {  	[dreg:$0x1] =	wrdreg $0xFFFFFFFF  }
0xad: {  	[dreg:$0x0] =	wrdreg $0x60  }
0xae: {  	[dreg:$0x2] =	wrdreg s2  }
0xaf: {  	[dreg:$0x3] =	wrdreg s24  }
0xb0: {  	[dreg:$0x4] =	wrdreg $0xA8000  }
0xb1: {  	[dreg:$0x5] =	wrdreg $0x9  }
0xb2: {  	_ =	task.clear_ibuf [dreg:s7], $0x6FFFF;
	_ =	strace $0x90000049  }
0xb3: {  	s29 =	simm.s32 $0x9;
	_ =	strace $0x8000004B  }
0xb4: {  	_ =	swait.ge [sflag:s29], $0x1  }
0xb5: {  	[sflag:s29] =	ssyncadd.s32 $0xFFFFFFFF  }
0xb6: {  	_ =	strace $0x9000004B  }
0xb7: {  	_ =	sfence  }
0xb8: {  	s30 =	sld [smem:$0x0];
	_ =	sdelay $0x2  }
0xb9: {  	s31 =	sshll.u32 s1, $0xD;
	s1 =	sshrl.u32 s1, $0x2  }
0xba: {  	s3 =	sand.u32 $0x4000, s31;
	s1 =	sadd.s32 s1, s30  }
0xbb: {  	s0 =	sor.u32 s3, s0;
	s1 =	sshll.u32 s1, $0x11  }
0xbc: {  	s0 =	sor.u32 s1, s0  }
0xbd: {  	s0 =	sadd.s32 $0x8F2B, s0  }
0xbe: {  	[sflag:s0] =	ssyncadd.remote.s32 $0x1  }
0xbf: {  	_ =	sfence.sel $0xFFFF  }
0xc0: {  	[dreg:$0x0] =	wrdreg $0xFFFFFFFF;
	(pc) =	sbr.abs _section_cstart, $3  }
0xc1: {  	[dreg:$0x1] =	wrdreg $0xFFFFFFFF  }
0xc2: {  	_ =	task.clear_ibuf [dreg:s7], $0x2FFFF;
	_ =	strace $0x9FFFFFFF  }
0xc3: {  	(tm) =	ssettm $0x7FFFFFFF  }
tec
execute0_lowered:
.L_overlay_start_1:
0x0: {  	(tag) =	ssettag $0x1  }
0x1: {  	s1 =	rddreg [dreg:$0x0]  }
0x2: {  	s6 =	rddreg [dreg:$0x1]  }
0x3: {  	s0 =	srdreg.scid;
	s3 =	rddreg [dreg:$0x2];
	s4 =	simm.s32 $0x0  }
0x4: {  	s14 =	simm.s32 $0x80;
	s15 =	simm.s32 $0x2800;
	s16 =	simm.s32 $0x6800  }
0x5: {  	s17 =	simm.s32 $0x1;
	s18 =	simm.s32 $0x2;
	s19 =	simm.s32 $0x1380  }
0x6: {  	s20 =	simm.s32 $0x2700;
	s5 =	sand.u32 $0x1, s0;
	s0 =	stileid.u32  }
0x7: {  	s21 =	simm.s32 $0x2780;
	s22 =	simm.s32 $0x0;
	s8 =	smul.u32 $0x14000, s0  }
0x8: {  	[smem:$0x7FF] =	sst s4;
	s2 =	sshll.u32 s5, $0x4;
	s9 =	smul.u32 $0x140000, s5  }
0x9: {  	s28 =	smul.u32 $0x50000, s0;
	s5 =	ssub.s32 $0x2, s5;
	s2 =	sor.u32 s0, s2  }
0xa: {  	s31 =	sshll.u32 s0, $0x6;
	s29 =	sshrl.u32 s5, $0x1;
	s7 =	smul.u32 $0x1400, s2  }
0xb: {  	s2 =	rddreg [dreg:$0x3];
	_ =	strace $0x8000004A;
	s26 =	sshrl.u32 s8, $0x3  }
0xc: {  	s8 =	sadd.s32 s8, s9;
	s30 =	sshrl.u32 s28, $0x2;
	s12 =	ssub.s32 s5, s29  }
0xd: {  	s8 =	sshrl.u32 s8, $0x3;
	s13 =	sadd.s32 s30, s3;
	s7 =	sshrl.u32 s7, $0x3  }
0xe: {  	s11 =	sadd.s32 s8, s6;
	s10 =	sadd.s32 s7, s6;
	s7 =	sadd.s32 s26, s6  }
0xf: {  	s6 =	sor.u32 $0x1C03, s31;
	s9 =	sadd.s32 $0x34400, s11;
	s11 =	sshrl.u32 s13, $0x3  }
0x10: {  	s13 =	simm.s32 $0x1400;
	s5 =	sadd.s32 $0xC400, s7;
	s7 =	sadd.s32 $0x2400, s10  }
0x11: {  	s8 =	sadd.s32 $0x7400, s10;
	s10 =	smax.u32 s12, $0x1;
	s12 =	simm.s32 $0x3  }
.LBB2_1:
0x12: {  	[spmem:s11], [sflag:s6] =	dma.local [hbm:s5], $0x2800  }
0x13: {  	_ =	swait.ge [sflag:s12], $0x2800  }
0x14: {  	[sflag:s12] =	ssyncset.done $0x0  }
0x15: {  	[sflag:s12] =	ssyncadd.s32 $0xFFFFD800  }
0x16: {  	[tilespmem:s4], [sflag:$0x3] =	stream.linear.gather [hbm4b:s7+s4], $0x1400, $0x38;
	[tilespmem:$0x1E800] =	vst v63  }
0x17: {  	_ =	swait.ge [sflag:s12], $0x1400  }
0x18: {  	[sflag:s12] =	ssyncset.done $0x0  }
0x19: {  	[sflag:s12] =	ssyncadd.s32 $0xFFFFEC00  }
0x1a: {  	[tilespmem:s13], [sflag:$0x3] =	stream.linear.gather [hbm4b:s8+s4], $0x1400, $0x38;
	[tilespmem:$0x1E800] =	vst v63  }
0x1b: {  	_ =	swait.ge [sflag:s12], $0x1400  }
0x1c: {  	[sflag:s12] =	ssyncset.done $0x0  }
0x1d: {  	[sflag:s12] =	ssyncadd.s32 $0xFFFFEC00  }
0x1e: {  	[bflag:$0x0] =	sbarrier.arrive $0xFFFF  }
0x1f: {  	[tilespmem:s15], [sflag:$0x1] =	stream.indirect.gather [hbm4b:s1+s14], $0x80, s4, s14, $0xb8;
	[tilespmem:$0x1E800] =	vst v63  }
0x20: {  	s23 =	simm.s32 $0x80  }
0x21: {  	[tilespmem:s16], [sflag:$0x2] =	stream.indirect.gather [hbm4b:s1+s14], $0x80, s23, s14, $0xb8;
	[tilespmem:$0x1E800] =	vst v63  }
0x22: {  	_ =	swait.ge [sflag:s17], $0x4000  }
0x23: {  	[sflag:s17] =	ssyncset.done $0x0  }
0x24: {  	s29 =	simm.s32 $0x1400;
	[sflag:s17] =	ssyncadd.s32 $0xFFFFC000  }
0x25: {  	[spmem:s3] =	stream.indirect.scatter.add.f32 [tilespmem:s15], [sflag:$0x3], $0x80, s29, s14, $0xb8;
	[tilespmem:$0x1E800] =	vst v63  }
0x26: {  	_ =	swait.ge [sflag:s12], $0x4000  }
0x27: {  	[sflag:s12] =	ssyncset.done $0x0  }
0x28: {  	s30 =	simm.s32 $0x100;
	[sflag:s12] =	ssyncadd.s32 $0xFFFFC000  }
0x29: {  	[tilespmem:s15], [sflag:$0x1] =	stream.indirect.gather [hbm4b:s1+s14], $0x80, s30, s14, $0xb8;
	[tilespmem:$0x1E800] =	vst v63  }
0x2a: {  	_ =	swait.ge [sflag:s18], $0x4000  }
0x2b: {  	[sflag:s18] =	ssyncset.done $0x0  }
0x2c: {  	s31 =	simm.s32 $0x1480;
	[sflag:s18] =	ssyncadd.s32 $0xFFFFC000  }
0x2d: {  	[spmem:s3] =	stream.indirect.scatter.add.f32 [tilespmem:s16], [sflag:$0x3], $0x80, s31, s14, $0xb8;
	[tilespmem:$0x1E800] =	vst v63  }
0x2e: {  	_ =	swait.ge [sflag:s12], $0x4000  }
0x2f: {  	s24 =	simm.s32 $0x800;
	s23 =	simm.s32 $0x100;
	[sflag:s12] =	ssyncset.done $0x0  }
.LBB2_2:
0x30: {  	s25 =	sadd.s32 $0x80, s23  }
0x31: {  	[sflag:s12] =	ssyncadd.s32 $0xFFFFC000;
	s26 =	smov.u32 s24;
	s28 =	sadd.s32 $0x400, s24  }
0x32: {  	[tilespmem:s16], [sflag:$0x2] =	stream.indirect.gather [hbm4b:s1+s14], $0x80, s25, s14, $0xb8;
	[tilespmem:$0x1E800] =	vst v63  }
0x33: {  	p0 =	sne.s32 s24, $0x4800;
	_ =	swait.ge [sflag:s17], $0x4000  }
0x34: {  	[sflag:s17] =	ssyncset.done $0x0  }
0x35: {  	s24 =	sadd.s32 $0x1400, s23;
	[sflag:s17] =	ssyncadd.s32 $0xFFFFC000  }
0x36: {  	[spmem:s3] =	stream.indirect.scatter.add.f32 [tilespmem:s15], [sflag:$0x3], $0x80, s24, s14, $0xb8;
	[tilespmem:$0x1E800] =	vst v63  }
0x37: {  	_ =	swait.ge [sflag:s12], $0x4000  }
0x38: {  	[sflag:s12] =	ssyncset.done $0x0  }
0x39: {  	s24 =	sadd.s32 $0x100, s23;
	[sflag:s12] =	ssyncadd.s32 $0xFFFFC000  }
0x3a: {  	[tilespmem:s15], [sflag:$0x1] =	stream.indirect.gather [hbm4b:s1+s14], $0x80, s24, s14, $0xb8;
	[tilespmem:$0x1E800] =	vst v63  }
0x3b: {  	_ =	swait.ge [sflag:s18], $0x4000  }
.Ltmp0:
0x3c: {  	[sflag:s18] =	ssyncset.done $0x0;
	(pc) =	sbr.rel @p0 .LBB2_2-.Ltmp0, $4  }
0x3d: {  	s23 =	sadd.s32 $0x1480, s23;
	[sflag:s18] =	ssyncadd.s32 $0xFFFFC000  }
0x3e: {  	[spmem:s3] =	stream.indirect.scatter.add.f32 [tilespmem:s16], [sflag:$0x3], $0x80, s23, s14, $0xb8;
	[tilespmem:$0x1E800] =	vst v63  }
0x3f: {  	_ =	swait.ge [sflag:s12], $0x4000  }
0x40: {  	s24 =	smov.u32 s28;
	s23 =	sshra.s32 s26, $0x2;
	[sflag:s12] =	ssyncset.done $0x0  }
0x41: {  	s24 =	sadd.s32 $0x80, s23;
	[sflag:s12] =	ssyncadd.s32 $0xFFFFC000  }
0x42: {  	[tilespmem:s16], [sflag:$0x2] =	stream.indirect.gather [hbm4b:s1+s14], $0x80, s24, s14, $0xb8;
	[tilespmem:$0x1E800] =	vst v63  }
0x43: {  	_ =	swait.ge [sflag:s17], $0x4000  }
0x44: {  	[sflag:s17] =	ssyncset.done $0x0  }
0x45: {  	s29 =	sadd.s32 $0x1400, s23;
	[sflag:s17] =	ssyncadd.s32 $0xFFFFC000  }
0x46: {  	[spmem:s3] =	stream.indirect.scatter.add.f32 [tilespmem:s15], [sflag:$0x3], $0x80, s29, s14, $0xb8;
	[tilespmem:$0x1E800] =	vst v63  }
0x47: {  	_ =	swait.ge [sflag:s12], $0x4000  }
0x48: {  	[sflag:s12] =	ssyncset.done $0x0  }
0x49: {  	s30 =	sadd.s32 $0x100, s23;
	[sflag:s12] =	ssyncadd.s32 $0xFFFFC000  }
0x4a: {  	[tilespmem:s15], [sflag:$0x1] =	stream.indirect.gather [hbm4b:s1+s14], $0x80, s30, s14, $0xb8;
	[tilespmem:$0x1E800] =	vst v63  }
0x4b: {  	_ =	swait.ge [sflag:s18], $0x4000  }
0x4c: {  	[sflag:s18] =	ssyncset.done $0x0  }
0x4d: {  	s31 =	sadd.s32 $0x1480, s23;
	[sflag:s18] =	ssyncadd.s32 $0xFFFFC000  }
0x4e: {  	[spmem:s3] =	stream.indirect.scatter.add.f32 [tilespmem:s16], [sflag:$0x3], $0x80, s31, s14, $0xb8;
	[tilespmem:$0x1E800] =	vst v63  }
0x4f: {  	_ =	swait.ge [sflag:s12], $0x4000  }
0x50: {  	[sflag:s12] =	ssyncset.done $0x0  }
0x51: {  	[sflag:s12] =	ssyncadd.s32 $0xFFFFC000  }
0x52: {  	[tilespmem:s16], [sflag:$0x2] =	stream.indirect.gather [hbm4b:s1+s14], $0x80, s19, s14, $0xb8;
	[tilespmem:$0x1E800] =	vst v63  }
0x53: {  	_ =	swait.ge [sflag:s17], $0x4000  }
0x54: {  	[sflag:s17] =	ssyncset.done $0x0  }
0x55: {  	[sflag:s17] =	ssyncadd.s32 $0xFFFFC000  }
0x56: {  	[spmem:s3] =	stream.indirect.scatter.add.f32 [tilespmem:s15], [sflag:$0x3], $0x80, s20, s14, $0xb8;
	[tilespmem:$0x1E800] =	vst v63  }
0x57: {  	_ =	swait.ge [sflag:s12], $0x4000  }
0x58: {  	[sflag:s12] =	ssyncset.done $0x0  }
0x59: {  	[sflag:s12] =	ssyncadd.s32 $0xFFFFC000  }
0x5a: {  	_ =	swait.ge [sflag:s18], $0x4000  }
0x5b: {  	[sflag:s18] =	ssyncset.done $0x0  }
0x5c: {  	[sflag:s18] =	ssyncadd.s32 $0xFFFFC000  }
0x5d: {  	[spmem:s3] =	stream.indirect.scatter.add.f32 [tilespmem:s16], [sflag:$0x3], $0x80, s21, s14, $0xb8;
	[tilespmem:$0x1E800] =	vst v63  }
0x5e: {  	_ =	swait.ge [sflag:s12], $0x4000  }
0x5f: {  	s22 =	sadd.s32 $0x1, s22;
	[sflag:s12] =	ssyncset.done $0x0  }
0x60: {  	p0 =	sne.s32 s22, s10;
	[sflag:s12] =	ssyncadd.s32 $0xFFFFC000  }
.Ltmp1:
0x61: {  	[bflag:$0x0] =	sbarrier.arrive $0xFFFF;
	(pc) =	sbr.rel @p0 .LBB2_1-.Ltmp1, $4  }
0x62: {  	[hbm:s9], [sflag:s6] =	dma.local [spmem:s11], $0x2800  }
0x63: {  	_ =	swait.ge [sflag:s12], $0x2800  }
0x64: {  	[sflag:s12] =	ssyncset.done $0x0  }
0x65: {  	[sflag:s12] =	ssyncadd.s32 $0xFFFFD800  }
0x66: {  	_ =	sfence.sel $0x180000  }
0x67: {  	[bflag:$0x0] =	sbarrier.arrive $0xFFFF  }
0x68: {  	p0 =	sne.s32 s0, $0x0;
	_ =	strace $0x9000004A  }
0x69: {  	s0 =	sadd.s32 @!p0 $0x100000, s2;
	[bflag:$0x2] =	sbarrier.arrive $0xFFFF  }
0x6a: {  	[sflag:s0] =	ssyncadd.tile.s32 @!p0 $0x1;
	_ =	shalt  }
.Lfunc_end2:
_tile_overlayer_lowered:
.L_overlay_start_2:
0x6b: {  	(tag) =	ssettag $0x2  }
0x6c: {  	s0 =	rddreg [dreg:$0x0];
	s2 =	stileid.u32  }
0x6d: {  	s1 =	rddreg [dreg:$0x1];
	p0 =	sne.s32 s2, $0x0  }
0x6e: {  	s3 =	rddreg [dreg:$0x2];
	[bflag:$0x3] =	sbarrier.arrive $0xFFFF;
	s2 =	simm.s32 @!p0 $0x1C03  }
0x6f: {  	[timem:s3], [sflag:s2] =	dma.local @!p0 [hbm:s0], s1  }
0x70: {  	s0 =	simm.s32 @!p0 $0x3  }
0x71: {  	_ =	swait.ge @!p0 [sflag:s0], s1  }
0x72: {  	s1 =	ssub.s32 @!p0 $0x0, s1;
	[sflag:s0] =	ssyncset.done @!p0 $0x0  }
0x73: {  	[sflag:s0] =	ssyncadd.s32 @!p0 s1  }
0x74: {  	[bflag:$0x3] =	sbarrier.arrive $0xFFFF  }
0x75: {  	_ =	shalt  }

// kernel: kernel.14.cloned.1.call-start
scs
__scs_entry_jumppad:
0x0: {  	(pc) =	sbr.rel $0x88, $3  }
0x1: {  	(tag) =	ssettag $0x0;
	lr =	simm.s32 $0x1  }
0x2: {  	[smem:$0x3F9B] =	sst lr;
	_ =	strace $0xD0000000  }
0x3: {  	_ = 	snop  }
0x4: {  	_ = 	snop  }
0x5: {  	_ = 	snop  }
0x6: {  	_ = 	snop  }
0x7: {  	_ = 	snop  }
__scs_overlays_trampoline_lowered:
0x8: {  	[smem:$0x3FAA] =	sst s0  }
0x9: {  	[smem:$0x3FAB] =	sst s1  }
0xa: {  	[smem:$0x3FAC] =	sst s2  }
0xb: {  	[smem:$0x3FAD] =	sst s3  }
0xc: {  	[smem:$0x3FAE] =	sst s4  }
0xd: {  	[smem:$0x3FAF] =	sst s5  }
0xe: {  	[smem:$0x3FB0] =	sst s6  }
0xf: {  	[smem:$0x3FB1] =	sst s7  }
0x10: {  	[smem:$0x3FB2] =	sst s8  }
0x11: {  	[smem:$0x3FB3] =	sst s9;
	s0 =	simm.s32 @!p0 $0x0  }
0x12: {  	s1 =	sld [smem:$0x3F99];
	s0 =	simm.s32 @p0 $0x1  }
0x13: {  	[smem:$0x3FB4] =	sst s0;
	s0 =	simm.s32 @!p1 $0x0  }
0x14: {  	s2 =	sld [smem:$0x3F98];
	s0 =	simm.s32 @p1 $0x1  }
0x15: {  	[smem:$0x3FB5] =	sst s0;
	s0 =	simm.s32 @!p2 $0x0  }
0x16: {  	s3 =	sld [smem:$0x3FDB];
	s0 =	simm.s32 @p2 $0x1  }
0x17: {  	s4 =	simm.s32 $0x1BF5;
	[smem:$0x3FB7] =	sst s0  }
0x18: {  	s0 =	sld [smem:$0x3F9A];
	_ =	swait.ge [sflag:s4], $0x0  }
0x19: {  	s7 =	sld [smem:$0x3F9B]  }
0x1a: {  	s8 =	sadd.s32 $0xFFFFE003, lr  }
0x1b: {  	s9 =	sadd.s32 $0xFFFFFEF7, lr;
	s5 =	simm.s32 $0xFFFFFFFF;
	p2 =	slt.u32 s8, $0xFFFFF086  }
0x1c: {  	p1 =	slt.u32 s9, $0xF7A;
	s5 =	simm.s32 @!p2 $0x0  }
0x1d: {  	s5 =	simm.s32 @p1 $0x1;
	p0 =	seq.s32 s7, s2  }
0x1e: {  	s7 =	smul.u32 @!p0 $0xF7A, s2;
	p2 =	seq.s32 @!p0 s5, $0x0  }
0x1f: {  	s9 =	smul.u32 $0xF7A, s1;
	s8 =	simm.s32 @!p0 $0x1BF5;
	p2 =	por !p2, p0  }
0x20: {  	[sflag:s8] =	ssyncset.s32 @!p0 $0xFFFFF086;
	s6 =	sadd.s32 @!p0 s3, s7;
	s7 =	simm.s32 @!p0 $0x108  }
0x21: {  	s3 =	sadd.s32 s3, s9;
	s6 =	sadd.s32 @!p0 $0x88, s6;
	s7 =	simm.s32 @p2 $0x1082  }
0x22: {  	[simem:s7], [sflag:s8] =	dma.local @!p0 [hbm:s6], $0xF7A  }
0x23: {  	s9 =	sor.u32 $0xD0000000, s2;
	s6 =	simm.s32 $0x108;
	_ =	swait.ge @!p0 [sflag:s8], $0x0  }
0x24: {  	s3 =	sadd.s32 $0x88, s3;
	s6 =	simm.s32 @!p1 $0x1082;
	[sflag:s4] =	ssyncset.s32 $0xFFFFF086  }
0x25: {  	[simem:s6], [sflag:s4] =	dma.local [hbm:s3], $0xF7A  }
0x26: {  	[smem:$0x3F9B] =	sst s1;
	(tag) =	ssettag s2;
	_ =	strace s9  }
0x27: {  	s1 =	sld [smem:$0x3FAB]  }
0x28: {  	s2 =	sld [smem:$0x3FAC]  }
0x29: {  	s4 =	sld [smem:$0x3FAE]  }
0x2a: {  	p0 =	seq.s32 s5, $0x0;
	s5 =	sld [smem:$0x3FAF]  }
0x2b: {  	s6 =	sld [smem:$0x3FB0]  }
0x2c: {  	s7 =	sld [smem:$0x3FB1]  }
0x2d: {  	s3 =	simm.s32 $0x108;
	s8 =	sld [smem:$0x3FB2]  }
0x2e: {  	s3 =	simm.s32 @!p0 $0x1082;
	s9 =	sld [smem:$0x3FB3]  }
0x2f: {  	lr =	sadd.s32 s0, s3;
	s0 =	sld [smem:$0x3FAA]  }
0x30: {  	s3 =	sld [smem:$0x3FAD]  }
0x31: {  	[smem:$0x3FB6] =	sst s10  }
0x32: {  	s10 =	sld [smem:$0x3FB4];
	_ =	sdelay $0x3  }
0x33: {  	p0 =	seq.s32 s10, $0x1;
	s10 =	sld [smem:$0x3FB6];
	_ =	sdelay $0x3  }
0x34: {  	[smem:$0x3FB6] =	sst s10  }
0x35: {  	s10 =	sld [smem:$0x3FB5];
	_ =	sdelay $0x3  }
0x36: {  	p1 =	seq.s32 s10, $0x1;
	s10 =	sld [smem:$0x3FB6];
	_ =	sdelay $0x3  }
0x37: {  	[smem:$0x3FB6] =	sst s10  }
0x38: {  	s10 =	sld [smem:$0x3FB7]  }
0x39: {  	_ = 	snop;
	(pc) =	sbr.ind lr, $3  }
0x3a: {  	_ = 	snop  }
0x3b: {  	_ = 	snop  }
0x3c: {  	p2 =	seq.s32 s10, $0x1;
	s10 =	sld [smem:$0x3FB6]  }
0x3d: {  	_ =	shalt  }
0x3e: {  	_ =	shalt  }
0x3f: {  	_ =	shalt  }
0x40: {  	_ =	shalt  }
0x41: {  	_ =	shalt  }
0x42: {  	_ =	shalt  }
0x43: {  	_ =	shalt  }
0x44: {  	_ =	shalt  }
0x45: {  	_ =	shalt  }
0x46: {  	_ =	shalt  }
0x47: {  	_ =	shalt  }
0x48: {  	_ =	shalt  }
0x49: {  	_ =	shalt  }
0x4a: {  	_ =	shalt  }
0x4b: {  	_ =	shalt  }
0x4c: {  	_ =	shalt  }
0x4d: {  	_ =	shalt  }
0x4e: {  	_ =	shalt  }
0x4f: {  	_ =	shalt  }
0x50: {  	_ =	shalt  }
0x51: {  	_ =	shalt  }
0x52: {  	_ =	shalt  }
0x53: {  	_ =	shalt  }
0x54: {  	_ =	shalt  }
0x55: {  	_ =	shalt  }
0x56: {  	_ =	shalt  }
0x57: {  	_ =	shalt  }
0x58: {  	_ =	shalt  }
0x59: {  	_ =	shalt  }
0x5a: {  	_ =	shalt  }
0x5b: {  	_ =	shalt  }
0x5c: {  	_ =	shalt  }
0x5d: {  	_ =	shalt  }
0x5e: {  	_ =	shalt  }
0x5f: {  	_ =	shalt  }
0x60: {  	_ =	shalt  }
0x61: {  	_ =	shalt  }
0x62: {  	_ =	shalt  }
0x63: {  	_ =	shalt  }
0x64: {  	_ =	shalt  }
0x65: {  	_ =	shalt  }
0x66: {  	_ =	shalt  }
0x67: {  	_ =	shalt  }
0x68: {  	_ =	shalt  }
0x69: {  	_ =	shalt  }
0x6a: {  	_ =	shalt  }
0x6b: {  	_ =	shalt  }
0x6c: {  	_ =	shalt  }
0x6d: {  	_ =	shalt  }
0x6e: {  	_ =	shalt  }
0x6f: {  	_ =	shalt  }
0x70: {  	_ =	shalt  }
0x71: {  	_ =	shalt  }
0x72: {  	_ =	shalt  }
0x73: {  	_ =	shalt  }
0x74: {  	_ =	shalt  }
0x75: {  	_ =	shalt  }
0x76: {  	_ =	shalt  }
0x77: {  	_ =	shalt  }
0x78: {  	_ =	shalt  }
0x79: {  	_ =	shalt  }
0x7a: {  	_ =	shalt  }
0x7b: {  	_ =	shalt  }
0x7c: {  	_ =	shalt  }
0x7d: {  	_ =	shalt  }
0x7e: {  	_ =	shalt  }
0x7f: {  	_ =	shalt  }
0x80: {  	_ =	shalt  }
0x81: {  	_ =	shalt  }
0x82: {  	_ =	shalt  }
0x83: {  	_ =	shalt  }
0x84: {  	_ =	shalt  }
0x85: {  	_ =	shalt  }
0x86: {  	_ =	shalt  }
0x87: {  	_ =	shalt  }
.Lfunc_end0:
.L_simem_size_0:
called_computation.2_lowered:
.L_overlay_start_0:
0x88: {  	s2 =	sld [smem:$0x3FD9]  }
0x89: {  	s3 =	sld [smem:$0x3FFE];
	_ =	sdelay $0x1  }
0x8a: {  	s1 =	srdreg.scid  }
0x8b: {  	s0 =	sand.u32 $0x1, s1  }
0x8c: {  	s17 =	sshll.u32 s0, $0xA;
	s2 =	sadd.s32 s3, s2  }
0x8d: {  	s2 =	sadd.s32 s2, s17  }
0x8e: {  	[smem:$0x3FC2] =	sst s2  }
0x8f: {  	_ = 	snop  }
0x90: {  	s2 =	sld [smem:$0x3FD0];
	(tm) =	ssettm $0x1  }
0x91: {  	s18 =	sld [smem:$0x3FFB];
	_ =	sdelay $0x3  }
0x92: {  	_ =	strace s18  }
0x93: {  	s3 =	sld [smem:$0x3FFC];
	_ =	sdelay $0x3  }
0x94: {  	_ =	strace s3  }
0x95: {  	s3 =	sld [smem:$0x3FFD];
	_ =	sdelay $0x3  }
0x96: {  	_ =	strace s3  }
0x97: {  	_ =	strace $0x8FFFFFFF  }
0x98: {  	s19 =	sld [smem:$0x3FDB];
	_ =	sdelay $0x1  }
0x99: {  	s4 =	simm.s32 $_scs_section_size  }
0x9a: {  	s5 =	simm.s32 $_size__tile_overlayer_lowered;
	s6 =	simm.s32 $_tile_overlayer_lowered  }
0x9b: {  	s22 =	simm.s32 $0x1BFF;
	s21 =	sshll.u32 s6, $0x1;
	s3 =	sadd.s32 s4, s19  }
0x9c: {  	s7 =	simm.s32 $0x0;
	s20 =	sshll.u32 s5, $0x1;
	s5 =	sadd.s32 s21, s3  }
0x9d: {  	[timem:s7], [sflag:s22] =	dma.local [hbm:s5], s20  }
0x9e: {  	_ =	swait.ge [sflag:s22], s20  }
0x9f: {  	s4 =	ssub.s32 $0x0, s20;
	[sflag:s22] =	ssyncset.done $0x0  }
0xa0: {  	[sflag:s22] =	ssyncadd.s32 s4;
	_ =	sdelay $0x1  }
0xa1: {  	s23 =	simm.s32 $0x1B8B  }
0xa2: {  	_ =	swait.ge [sflag:s23], $0x1  }
0xa3: {  	[sflag:s23] =	ssyncset.done $0x0  }
0xa4: {  	s25 =	simm.s32 $0x1B8E;
	s24 =	sld [smem:$0x3FFE];
	[sflag:s23] =	ssyncadd.s32 $0xFFFFFFFF  }
0xa5: {  	s26 =	simm.s32 $execute0_lowered;
	[smem:$0x3FD2] =	sst s25  }
0xa6: {  	s5 =	sshll.u32 s26, $0x1;
	_ =	strace $0x8000004C;
	[dreg:$0x1] =	wrdreg $0xFFFFFFFF  }
0xa7: {  	s28 =	simm.s32 $_size_execute0_lowered;
	s3 =	sadd.s32 s3, s5;
	[dreg:$0x0] =	wrdreg $0x0  }
0xa8: {  	s5 =	sshll.u32 s28, $0x1;
	[dreg:$0x2] =	wrdreg s3  }
0xa9: {  	[dreg:$0x3] =	wrdreg s5  }
0xaa: {  	[dreg:$0x4] =	wrdreg $0xC0  }
0xab: {  	_ =	task [dreg:s7], $0x5FFFF  }
0xac: {  	[dreg:$0x1] =	wrdreg $0xFFFFFFFF  }
0xad: {  	[dreg:$0x0] =	wrdreg $0x60  }
0xae: {  	[dreg:$0x2] =	wrdreg s2  }
0xaf: {  	[dreg:$0x3] =	wrdreg s24  }
0xb0: {  	[dreg:$0x4] =	wrdreg $0xA8000  }
0xb1: {  	[dreg:$0x5] =	wrdreg $0x9  }
0xb2: {  	_ =	task.clear_ibuf [dreg:s7], $0x6FFFF;
	_ =	strace $0x9000004C  }
0xb3: {  	s29 =	simm.s32 $0x9;
	_ =	strace $0x8000004E  }
0xb4: {  	_ =	swait.ge [sflag:s29], $0x1  }
0xb5: {  	[sflag:s29] =	ssyncadd.s32 $0xFFFFFFFF  }
0xb6: {  	_ =	strace $0x9000004E  }
0xb7: {  	_ =	sfence  }
0xb8: {  	s30 =	sld [smem:$0x0];
	_ =	sdelay $0x2  }
0xb9: {  	s31 =	sshll.u32 s1, $0xD;
	s1 =	sshrl.u32 s1, $0x2  }
0xba: {  	s3 =	sand.u32 $0x4000, s31;
	s1 =	sadd.s32 s1, s30  }
0xbb: {  	s0 =	sor.u32 s3, s0;
	s1 =	sshll.u32 s1, $0x11  }
0xbc: {  	s0 =	sor.u32 s1, s0  }
0xbd: {  	s0 =	sadd.s32 $0x8F2B, s0  }
0xbe: {  	[sflag:s0] =	ssyncadd.remote.s32 $0x1  }
0xbf: {  	_ =	sfence.sel $0xFFFF  }
0xc0: {  	[dreg:$0x0] =	wrdreg $0xFFFFFFFF;
	(pc) =	sbr.abs _section_cstart, $3  }
0xc1: {  	[dreg:$0x1] =	wrdreg $0xFFFFFFFF  }
0xc2: {  	_ =	task.clear_ibuf [dreg:s7], $0x2FFFF;
	_ =	strace $0x9FFFFFFF  }
0xc3: {  	(tm) =	ssettm $0x7FFFFFFF  }
tec
execute0_lowered:
.L_overlay_start_1:
0x0: {  	(tag) =	ssettag $0x1  }
0x1: {  	s1 =	rddreg [dreg:$0x0]  }
0x2: {  	s6 =	rddreg [dreg:$0x1]  }
0x3: {  	s0 =	srdreg.scid;
	s3 =	rddreg [dreg:$0x2];
	s4 =	simm.s32 $0x0  }
0x4: {  	s14 =	simm.s32 $0x80;
	s15 =	simm.s32 $0x2800;
	s16 =	simm.s32 $0x6800  }
0x5: {  	s17 =	simm.s32 $0x1;
	s18 =	simm.s32 $0x2;
	s19 =	simm.s32 $0x1380  }
0x6: {  	s20 =	simm.s32 $0x2700;
	s5 =	sand.u32 $0x1, s0;
	s0 =	stileid.u32  }
0x7: {  	s21 =	simm.s32 $0x2780;
	s22 =	simm.s32 $0x0;
	s8 =	smul.u32 $0x14000, s0  }
0x8: {  	[smem:$0x7FF] =	sst s4;
	s2 =	sshll.u32 s5, $0x4;
	s9 =	smul.u32 $0x140000, s5  }
0x9: {  	s28 =	smul.u32 $0x50000, s0;
	s5 =	ssub.s32 $0x2, s5;
	s2 =	sor.u32 s0, s2  }
0xa: {  	s31 =	sshll.u32 s0, $0x6;
	s29 =	sshrl.u32 s5, $0x1;
	s7 =	smul.u32 $0x1400, s2  }
0xb: {  	s2 =	rddreg [dreg:$0x3];
	_ =	strace $0x8000004D;
	s26 =	sshrl.u32 s8, $0x3  }
0xc: {  	s8 =	sadd.s32 s8, s9;
	s30 =	sshrl.u32 s28, $0x2;
	s12 =	ssub.s32 s5, s29  }
0xd: {  	s8 =	sshrl.u32 s8, $0x3;
	s13 =	sadd.s32 s30, s3;
	s7 =	sshrl.u32 s7, $0x3  }
0xe: {  	s11 =	sadd.s32 s8, s6;
	s10 =	sadd.s32 s7, s6;
	s7 =	sadd.s32 s26, s6  }
0xf: {  	s6 =	sor.u32 $0x1C03, s31;
	s9 =	sadd.s32 $0x34400, s11;
	s11 =	sshrl.u32 s13, $0x3  }
0x10: {  	s13 =	simm.s32 $0x1400;
	s5 =	sadd.s32 $0xC400, s7;
	s7 =	sadd.s32 $0x2400, s10  }
0x11: {  	s8 =	sadd.s32 $0x7400, s10;
	s10 =	smax.u32 s12, $0x1;
	s12 =	simm.s32 $0x3  }
.LBB2_1:
0x12: {  	[spmem:s11], [sflag:s6] =	dma.local [hbm:s5], $0x2800  }
0x13: {  	_ =	swait.ge [sflag:s12], $0x2800  }
0x14: {  	[sflag:s12] =	ssyncset.done $0x0  }
0x15: {  	[sflag:s12] =	ssyncadd.s32 $0xFFFFD800  }
0x16: {  	[tilespmem:s4], [sflag:$0x3] =	stream.linear.gather [hbm4b:s7+s4], $0x1400, $0x38;
	[tilespmem:$0x1E800] =	vst v63  }
0x17: {  	_ =	swait.ge [sflag:s12], $0x1400  }
0x18: {  	[sflag:s12] =	ssyncset.done $0x0  }
0x19: {  	[sflag:s12] =	ssyncadd.s32 $0xFFFFEC00  }
0x1a: {  	[tilespmem:s13], [sflag:$0x3] =	stream.linear.gather [hbm4b:s8+s4], $0x1400, $0x38;
	[tilespmem:$0x1E800] =	vst v63  }
0x1b: {  	_ =	swait.ge [sflag:s12], $0x1400  }
0x1c: {  	[sflag:s12] =	ssyncset.done $0x0  }
0x1d: {  	[sflag:s12] =	ssyncadd.s32 $0xFFFFEC00  }
0x1e: {  	[bflag:$0x0] =	sbarrier.arrive $0xFFFF  }
0x1f: {  	[tilespmem:s15], [sflag:$0x1] =	stream.indirect.gather [hbm4b:s1+s14], $0x80, s4, s14, $0xb8;
	[tilespmem:$0x1E800] =	vst v63  }
0x20: {  	s23 =	simm.s32 $0x80  }
0x21: {  	[tilespmem:s16], [sflag:$0x2] =	stream.indirect.gather [hbm4b:s1+s14], $0x80, s23, s14, $0xb8;
	[tilespmem:$0x1E800] =	vst v63  }
0x22: {  	_ =	swait.ge [sflag:s17], $0x4000  }
0x23: {  	[sflag:s17] =	ssyncset.done $0x0  }
0x24: {  	s29 =	simm.s32 $0x1400;
	[sflag:s17] =	ssyncadd.s32 $0xFFFFC000  }
0x25: {  	[spmem:s3] =	stream.indirect.scatter.add.f32 [tilespmem:s15], [sflag:$0x3], $0x80, s29, s14, $0xb8;
	[tilespmem:$0x1E800] =	vst v63  }
0x26: {  	_ =	swait.ge [sflag:s12], $0x4000  }
0x27: {  	[sflag:s12] =	ssyncset.done $0x0  }
0x28: {  	s30 =	simm.s32 $0x100;
	[sflag:s12] =	ssyncadd.s32 $0xFFFFC000  }
0x29: {  	[tilespmem:s15], [sflag:$0x1] =	stream.indirect.gather [hbm4b:s1+s14], $0x80, s30, s14, $0xb8;
	[tilespmem:$0x1E800] =	vst v63  }
0x2a: {  	_ =	swait.ge [sflag:s18], $0x4000  }
0x2b: {  	[sflag:s18] =	ssyncset.done $0x0  }
0x2c: {  	s31 =	simm.s32 $0x1480;
	[sflag:s18] =	ssyncadd.s32 $0xFFFFC000  }
0x2d: {  	[spmem:s3] =	stream.indirect.scatter.add.f32 [tilespmem:s16], [sflag:$0x3], $0x80, s31, s14, $0xb8;
	[tilespmem:$0x1E800] =	vst v63  }
0x2e: {  	_ =	swait.ge [sflag:s12], $0x4000  }
0x2f: {  	s24 =	simm.s32 $0x800;
	s23 =	simm.s32 $0x100;
	[sflag:s12] =	ssyncset.done $0x0  }
.LBB2_2:
0x30: {  	s25 =	sadd.s32 $0x80, s23  }
0x31: {  	[sflag:s12] =	ssyncadd.s32 $0xFFFFC000;
	s26 =	smov.u32 s24;
	s28 =	sadd.s32 $0x400, s24  }
0x32: {  	[tilespmem:s16], [sflag:$0x2] =	stream.indirect.gather [hbm4b:s1+s14], $0x80, s25, s14, $0xb8;
	[tilespmem:$0x1E800] =	vst v63  }
0x33: {  	p0 =	sne.s32 s24, $0x4800;
	_ =	swait.ge [sflag:s17], $0x4000  }
0x34: {  	[sflag:s17] =	ssyncset.done $0x0  }
0x35: {  	s24 =	sadd.s32 $0x1400, s23;
	[sflag:s17] =	ssyncadd.s32 $0xFFFFC000  }
0x36: {  	[spmem:s3] =	stream.indirect.scatter.add.f32 [tilespmem:s15], [sflag:$0x3], $0x80, s24, s14, $0xb8;
	[tilespmem:$0x1E800] =	vst v63  }
0x37: {  	_ =	swait.ge [sflag:s12], $0x4000  }
0x38: {  	[sflag:s12] =	ssyncset.done $0x0  }
0x39: {  	s24 =	sadd.s32 $0x100, s23;
	[sflag:s12] =	ssyncadd.s32 $0xFFFFC000  }
0x3a: {  	[tilespmem:s15], [sflag:$0x1] =	stream.indirect.gather [hbm4b:s1+s14], $0x80, s24, s14, $0xb8;
	[tilespmem:$0x1E800] =	vst v63  }
0x3b: {  	_ =	swait.ge [sflag:s18], $0x4000  }
.Ltmp0:
0x3c: {  	[sflag:s18] =	ssyncset.done $0x0;
	(pc) =	sbr.rel @p0 .LBB2_2-.Ltmp0, $4  }
0x3d: {  	s23 =	sadd.s32 $0x1480, s23;
	[sflag:s18] =	ssyncadd.s32 $0xFFFFC000  }
0x3e: {  	[spmem:s3] =	stream.indirect.scatter.add.f32 [tilespmem:s16], [sflag:$0x3], $0x80, s23, s14, $0xb8;
	[tilespmem:$0x1E800] =	vst v63  }
0x3f: {  	_ =	swait.ge [sflag:s12], $0x4000  }
0x40: {  	s24 =	smov.u32 s28;
	s23 =	sshra.s32 s26, $0x2;
	[sflag:s12] =	ssyncset.done $0x0  }
0x41: {  	s24 =	sadd.s32 $0x80, s23;
	[sflag:s12] =	ssyncadd.s32 $0xFFFFC000  }
0x42: {  	[tilespmem:s16], [sflag:$0x2] =	stream.indirect.gather [hbm4b:s1+s14], $0x80, s24, s14, $0xb8;
	[tilespmem:$0x1E800] =	vst v63  }
0x43: {  	_ =	swait.ge [sflag:s17], $0x4000  }
0x44: {  	[sflag:s17] =	ssyncset.done $0x0  }
0x45: {  	s29 =	sadd.s32 $0x1400, s23;
	[sflag:s17] =	ssyncadd.s32 $0xFFFFC000  }
0x46: {  	[spmem:s3] =	stream.indirect.scatter.add.f32 [tilespmem:s15], [sflag:$0x3], $0x80, s29, s14, $0xb8;
	[tilespmem:$0x1E800] =	vst v63  }
0x47: {  	_ =	swait.ge [sflag:s12], $0x4000  }
0x48: {  	[sflag:s12] =	ssyncset.done $0x0  }
0x49: {  	s30 =	sadd.s32 $0x100, s23;
	[sflag:s12] =	ssyncadd.s32 $0xFFFFC000  }
0x4a: {  	[tilespmem:s15], [sflag:$0x1] =	stream.indirect.gather [hbm4b:s1+s14], $0x80, s30, s14, $0xb8;
	[tilespmem:$0x1E800] =	vst v63  }
0x4b: {  	_ =	swait.ge [sflag:s18], $0x4000  }
0x4c: {  	[sflag:s18] =	ssyncset.done $0x0  }
0x4d: {  	s31 =	sadd.s32 $0x1480, s23;
	[sflag:s18] =	ssyncadd.s32 $0xFFFFC000  }
0x4e: {  	[spmem:s3] =	stream.indirect.scatter.add.f32 [tilespmem:s16], [sflag:$0x3], $0x80, s31, s14, $0xb8;
	[tilespmem:$0x1E800] =	vst v63  }
0x4f: {  	_ =	swait.ge [sflag:s12], $0x4000  }
0x50: {  	[sflag:s12] =	ssyncset.done $0x0  }
0x51: {  	[sflag:s12] =	ssyncadd.s32 $0xFFFFC000  }
0x52: {  	[tilespmem:s16], [sflag:$0x2] =	stream.indirect.gather [hbm4b:s1+s14], $0x80, s19, s14, $0xb8;
	[tilespmem:$0x1E800] =	vst v63  }
0x53: {  	_ =	swait.ge [sflag:s17], $0x4000  }
0x54: {  	[sflag:s17] =	ssyncset.done $0x0  }
0x55: {  	[sflag:s17] =	ssyncadd.s32 $0xFFFFC000  }
0x56: {  	[spmem:s3] =	stream.indirect.scatter.add.f32 [tilespmem:s15], [sflag:$0x3], $0x80, s20, s14, $0xb8;
	[tilespmem:$0x1E800] =	vst v63  }
0x57: {  	_ =	swait.ge [sflag:s12], $0x4000  }
0x58: {  	[sflag:s12] =	ssyncset.done $0x0  }
0x59: {  	[sflag:s12] =	ssyncadd.s32 $0xFFFFC000  }
0x5a: {  	_ =	swait.ge [sflag:s18], $0x4000  }
0x5b: {  	[sflag:s18] =	ssyncset.done $0x0  }
0x5c: {  	[sflag:s18] =	ssyncadd.s32 $0xFFFFC000  }
0x5d: {  	[spmem:s3] =	stream.indirect.scatter.add.f32 [tilespmem:s16], [sflag:$0x3], $0x80, s21, s14, $0xb8;
	[tilespmem:$0x1E800] =	vst v63  }
0x5e: {  	_ =	swait.ge [sflag:s12], $0x4000  }
0x5f: {  	s22 =	sadd.s32 $0x1, s22;
	[sflag:s12] =	ssyncset.done $0x0  }
0x60: {  	p0 =	sne.s32 s22, s10;
	[sflag:s12] =	ssyncadd.s32 $0xFFFFC000  }
.Ltmp1:
0x61: {  	[bflag:$0x0] =	sbarrier.arrive $0xFFFF;
	(pc) =	sbr.rel @p0 .LBB2_1-.Ltmp1, $4  }
0x62: {  	[hbm:s9], [sflag:s6] =	dma.local [spmem:s11], $0x2800  }
0x63: {  	_ =	swait.ge [sflag:s12], $0x2800  }
0x64: {  	[sflag:s12] =	ssyncset.done $0x0  }
0x65: {  	[sflag:s12] =	ssyncadd.s32 $0xFFFFD800  }
0x66: {  	_ =	sfence.sel $0x180000  }
0x67: {  	[bflag:$0x0] =	sbarrier.arrive $0xFFFF  }
0x68: {  	p0 =	sne.s32 s0, $0x0;
	_ =	strace $0x9000004D  }
0x69: {  	s0 =	sadd.s32 @!p0 $0x100000, s2;
	[bflag:$0x2] =	sbarrier.arrive $0xFFFF  }
0x6a: {  	[sflag:s0] =	ssyncadd.tile.s32 @!p0 $0x1;
	_ =	shalt  }
.Lfunc_end2:
_tile_overlayer_lowered:
.L_overlay_start_2:
0x6b: {  	(tag) =	ssettag $0x2  }
0x6c: {  	s0 =	rddreg [dreg:$0x0];
	s2 =	stileid.u32  }
0x6d: {  	s1 =	rddreg [dreg:$0x1];
	p0 =	sne.s32 s2, $0x0  }
0x6e: {  	s3 =	rddreg [dreg:$0x2];
	[bflag:$0x3] =	sbarrier.arrive $0xFFFF;
	s2 =	simm.s32 @!p0 $0x1C03  }
0x6f: {  	[timem:s3], [sflag:s2] =	dma.local @!p0 [hbm:s0], s1  }
0x70: {  	s0 =	simm.s32 @!p0 $0x3  }
0x71: {  	_ =	swait.ge @!p0 [sflag:s0], s1  }
0x72: {  	s1 =	ssub.s32 @!p0 $0x0, s1;
	[sflag:s0] =	ssyncset.done @!p0 $0x0  }
0x73: {  	[sflag:s0] =	ssyncadd.s32 @!p0 s1  }
0x74: {  	[bflag:$0x3] =	sbarrier.arrive $0xFFFF  }
0x75: {  	_ =	shalt  }

// kernel: kernel.8.cloned.1.call-start
scs
__scs_entry_jumppad:
0x0: {  	(pc) =	sbr.rel $0x88, $3  }
0x1: {  	(tag) =	ssettag $0x0;
	lr =	simm.s32 $0x1  }
0x2: {  	[smem:$0x3F9B] =	sst lr;
	_ =	strace $0xD0000000  }
0x3: {  	_ = 	snop  }
0x4: {  	_ = 	snop  }
0x5: {  	_ = 	snop  }
0x6: {  	_ = 	snop  }
0x7: {  	_ = 	snop  }
__scs_overlays_trampoline_lowered:
0x8: {  	[smem:$0x3FAA] =	sst s0  }
0x9: {  	[smem:$0x3FAB] =	sst s1  }
0xa: {  	[smem:$0x3FAC] =	sst s2  }
0xb: {  	[smem:$0x3FAD] =	sst s3  }
0xc: {  	[smem:$0x3FAE] =	sst s4  }
0xd: {  	[smem:$0x3FAF] =	sst s5  }
0xe: {  	[smem:$0x3FB0] =	sst s6  }
0xf: {  	[smem:$0x3FB1] =	sst s7  }
0x10: {  	[smem:$0x3FB2] =	sst s8  }
0x11: {  	[smem:$0x3FB3] =	sst s9;
	s0 =	simm.s32 @!p0 $0x0  }
0x12: {  	s1 =	sld [smem:$0x3F99];
	s0 =	simm.s32 @p0 $0x1  }
0x13: {  	[smem:$0x3FB4] =	sst s0;
	s0 =	simm.s32 @!p1 $0x0  }
0x14: {  	s2 =	sld [smem:$0x3F98];
	s0 =	simm.s32 @p1 $0x1  }
0x15: {  	[smem:$0x3FB5] =	sst s0;
	s0 =	simm.s32 @!p2 $0x0  }
0x16: {  	s3 =	sld [smem:$0x3FDB];
	s0 =	simm.s32 @p2 $0x1  }
0x17: {  	s4 =	simm.s32 $0x1BF5;
	[smem:$0x3FB7] =	sst s0  }
0x18: {  	s0 =	sld [smem:$0x3F9A];
	_ =	swait.ge [sflag:s4], $0x0  }
0x19: {  	s7 =	sld [smem:$0x3F9B]  }
0x1a: {  	s8 =	sadd.s32 $0xFFFFE003, lr  }
0x1b: {  	s9 =	sadd.s32 $0xFFFFFEF7, lr;
	s5 =	simm.s32 $0xFFFFFFFF;
	p2 =	slt.u32 s8, $0xFFFFF086  }
0x1c: {  	p1 =	slt.u32 s9, $0xF7A;
	s5 =	simm.s32 @!p2 $0x0  }
0x1d: {  	s5 =	simm.s32 @p1 $0x1;
	p0 =	seq.s32 s7, s2  }
0x1e: {  	s7 =	smul.u32 @!p0 $0xF7A, s2;
	p2 =	seq.s32 @!p0 s5, $0x0  }
0x1f: {  	s9 =	smul.u32 $0xF7A, s1;
	s8 =	simm.s32 @!p0 $0x1BF5;
	p2 =	por !p2, p0  }
0x20: {  	[sflag:s8] =	ssyncset.s32 @!p0 $0xFFFFF086;
	s6 =	sadd.s32 @!p0 s3, s7;
	s7 =	simm.s32 @!p0 $0x108  }
0x21: {  	s3 =	sadd.s32 s3, s9;
	s6 =	sadd.s32 @!p0 $0x88, s6;
	s7 =	simm.s32 @p2 $0x1082  }
0x22: {  	[simem:s7], [sflag:s8] =	dma.local @!p0 [hbm:s6], $0xF7A  }
0x23: {  	s9 =	sor.u32 $0xD0000000, s2;
	s6 =	simm.s32 $0x108;
	_ =	swait.ge @!p0 [sflag:s8], $0x0  }
0x24: {  	s3 =	sadd.s32 $0x88, s3;
	s6 =	simm.s32 @!p1 $0x1082;
	[sflag:s4] =	ssyncset.s32 $0xFFFFF086  }
0x25: {  	[simem:s6], [sflag:s4] =	dma.local [hbm:s3], $0xF7A  }
0x26: {  	[smem:$0x3F9B] =	sst s1;
	(tag) =	ssettag s2;
	_ =	strace s9  }
0x27: {  	s1 =	sld [smem:$0x3FAB]  }
0x28: {  	s2 =	sld [smem:$0x3FAC]  }
0x29: {  	s4 =	sld [smem:$0x3FAE]  }
0x2a: {  	p0 =	seq.s32 s5, $0x0;
	s5 =	sld [smem:$0x3FAF]  }
0x2b: {  	s6 =	sld [smem:$0x3FB0]  }
0x2c: {  	s7 =	sld [smem:$0x3FB1]  }
0x2d: {  	s3 =	simm.s32 $0x108;
	s8 =	sld [smem:$0x3FB2]  }
0x2e: {  	s3 =	simm.s32 @!p0 $0x1082;
	s9 =	sld [smem:$0x3FB3]  }
0x2f: {  	lr =	sadd.s32 s0, s3;
	s0 =	sld [smem:$0x3FAA]  }
0x30: {  	s3 =	sld [smem:$0x3FAD]  }
0x31: {  	[smem:$0x3FB6] =	sst s10  }
0x32: {  	s10 =	sld [smem:$0x3FB4];
	_ =	sdelay $0x3  }
0x33: {  	p0 =	seq.s32 s10, $0x1;
	s10 =	sld [smem:$0x3FB6];
	_ =	sdelay $0x3  }
0x34: {  	[smem:$0x3FB6] =	sst s10  }
0x35: {  	s10 =	sld [smem:$0x3FB5];
	_ =	sdelay $0x3  }
0x36: {  	p1 =	seq.s32 s10, $0x1;
	s10 =	sld [smem:$0x3FB6];
	_ =	sdelay $0x3  }
0x37: {  	[smem:$0x3FB6] =	sst s10  }
0x38: {  	s10 =	sld [smem:$0x3FB7]  }
0x39: {  	_ = 	snop;
	(pc) =	sbr.ind lr, $3  }
0x3a: {  	_ = 	snop  }
0x3b: {  	_ = 	snop  }
0x3c: {  	p2 =	seq.s32 s10, $0x1;
	s10 =	sld [smem:$0x3FB6]  }
0x3d: {  	_ =	shalt  }
0x3e: {  	_ =	shalt  }
0x3f: {  	_ =	shalt  }
0x40: {  	_ =	shalt  }
0x41: {  	_ =	shalt  }
0x42: {  	_ =	shalt  }
0x43: {  	_ =	shalt  }
0x44: {  	_ =	shalt  }
0x45: {  	_ =	shalt  }
0x46: {  	_ =	shalt  }
0x47: {  	_ =	shalt  }
0x48: {  	_ =	shalt  }
0x49: {  	_ =	shalt  }
0x4a: {  	_ =	shalt  }
0x4b: {  	_ =	shalt  }
0x4c: {  	_ =	shalt  }
0x4d: {  	_ =	shalt  }
0x4e: {  	_ =	shalt  }
0x4f: {  	_ =	shalt  }
0x50: {  	_ =	shalt  }
0x51: {  	_ =	shalt  }
0x52: {  	_ =	shalt  }
0x53: {  	_ =	shalt  }
0x54: {  	_ =	shalt  }
0x55: {  	_ =	shalt  }
0x56: {  	_ =	shalt  }
0x57: {  	_ =	shalt  }
0x58: {  	_ =	shalt  }
0x59: {  	_ =	shalt  }
0x5a: {  	_ =	shalt  }
0x5b: {  	_ =	shalt  }
0x5c: {  	_ =	shalt  }
0x5d: {  	_ =	shalt  }
0x5e: {  	_ =	shalt  }
0x5f: {  	_ =	shalt  }
0x60: {  	_ =	shalt  }
0x61: {  	_ =	shalt  }
0x62: {  	_ =	shalt  }
0x63: {  	_ =	shalt  }
0x64: {  	_ =	shalt  }
0x65: {  	_ =	shalt  }
0x66: {  	_ =	shalt  }
0x67: {  	_ =	shalt  }
0x68: {  	_ =	shalt  }
0x69: {  	_ =	shalt  }
0x6a: {  	_ =	shalt  }
0x6b: {  	_ =	shalt  }
0x6c: {  	_ =	shalt  }
0x6d: {  	_ =	shalt  }
0x6e: {  	_ =	shalt  }
0x6f: {  	_ =	shalt  }
0x70: {  	_ =	shalt  }
0x71: {  	_ =	shalt  }
0x72: {  	_ =	shalt  }
0x73: {  	_ =	shalt  }
0x74: {  	_ =	shalt  }
0x75: {  	_ =	shalt  }
0x76: {  	_ =	shalt  }
0x77: {  	_ =	shalt  }
0x78: {  	_ =	shalt  }
0x79: {  	_ =	shalt  }
0x7a: {  	_ =	shalt  }
0x7b: {  	_ =	shalt  }
0x7c: {  	_ =	shalt  }
0x7d: {  	_ =	shalt  }
0x7e: {  	_ =	shalt  }
0x7f: {  	_ =	shalt  }
0x80: {  	_ =	shalt  }
0x81: {  	_ =	shalt  }
0x82: {  	_ =	shalt  }
0x83: {  	_ =	shalt  }
0x84: {  	_ =	shalt  }
0x85: {  	_ =	shalt  }
0x86: {  	_ =	shalt  }
0x87: {  	_ =	shalt  }
.Lfunc_end0:
.L_simem_size_0:
called_computation_lowered:
.L_overlay_start_0:
0x88: {  	s2 =	sld [smem:$0x3FD9]  }
0x89: {  	s3 =	sld [smem:$0x3FFE];
	_ =	sdelay $0x1  }
0x8a: {  	s1 =	srdreg.scid  }
0x8b: {  	s0 =	sand.u32 $0x1, s1  }
0x8c: {  	s17 =	sshll.u32 s0, $0xA;
	s2 =	sadd.s32 s3, s2  }
0x8d: {  	s2 =	sadd.s32 s2, s17  }
0x8e: {  	[smem:$0x3FC2] =	sst s2  }
0x8f: {  	_ = 	snop  }
0x90: {  	s2 =	sld [smem:$0x3FD0];
	(tm) =	ssettm $0x1  }
0x91: {  	s18 =	sld [smem:$0x3FFB];
	_ =	sdelay $0x3  }
0x92: {  	_ =	strace s18  }
0x93: {  	s3 =	sld [smem:$0x3FFC];
	_ =	sdelay $0x3  }
0x94: {  	_ =	strace s3  }
0x95: {  	s3 =	sld [smem:$0x3FFD];
	_ =	sdelay $0x3  }
0x96: {  	_ =	strace s3  }
0x97: {  	_ =	strace $0x8FFFFFFF  }
0x98: {  	s19 =	sld [smem:$0x3FDB];
	_ =	sdelay $0x1  }
0x99: {  	s4 =	simm.s32 $_scs_section_size  }
0x9a: {  	s5 =	simm.s32 $_size__tile_overlayer_lowered;
	s6 =	simm.s32 $_tile_overlayer_lowered  }
0x9b: {  	s22 =	simm.s32 $0x1BFF;
	s21 =	sshll.u32 s6, $0x1;
	s3 =	sadd.s32 s4, s19  }
0x9c: {  	s7 =	simm.s32 $0x0;
	s20 =	sshll.u32 s5, $0x1;
	s5 =	sadd.s32 s21, s3  }
0x9d: {  	[timem:s7], [sflag:s22] =	dma.local [hbm:s5], s20  }
0x9e: {  	_ =	swait.ge [sflag:s22], s20  }
0x9f: {  	s4 =	ssub.s32 $0x0, s20;
	[sflag:s22] =	ssyncset.done $0x0  }
0xa0: {  	[sflag:s22] =	ssyncadd.s32 s4;
	_ =	sdelay $0x1  }
0xa1: {  	s23 =	simm.s32 $0x1B8B  }
0xa2: {  	_ =	swait.ge [sflag:s23], $0x1  }
0xa3: {  	[sflag:s23] =	ssyncset.done $0x0  }
0xa4: {  	s25 =	simm.s32 $0x1B8E;
	s24 =	sld [smem:$0x3FFE];
	[sflag:s23] =	ssyncadd.s32 $0xFFFFFFFF  }
0xa5: {  	s26 =	simm.s32 $execute0_lowered;
	[smem:$0x3FD2] =	sst s25  }
0xa6: {  	s5 =	sshll.u32 s26, $0x1;
	_ =	strace $0x80000046;
	[dreg:$0x1] =	wrdreg $0xFFFFFFFF  }
0xa7: {  	s28 =	simm.s32 $_size_execute0_lowered;
	s3 =	sadd.s32 s3, s5;
	[dreg:$0x0] =	wrdreg $0x0  }
0xa8: {  	s5 =	sshll.u32 s28, $0x1;
	[dreg:$0x2] =	wrdreg s3  }
0xa9: {  	[dreg:$0x3] =	wrdreg s5  }
0xaa: {  	[dreg:$0x4] =	wrdreg $0xC0  }
0xab: {  	_ =	task [dreg:s7], $0x5FFFF  }
0xac: {  	[dreg:$0x1] =	wrdreg $0xFFFFFFFF  }
0xad: {  	[dreg:$0x0] =	wrdreg $0x60  }
0xae: {  	[dreg:$0x2] =	wrdreg s24  }
0xaf: {  	[dreg:$0x3] =	wrdreg s2  }
0xb0: {  	[dreg:$0x4] =	wrdreg $0x66800  }
0xb1: {  	[dreg:$0x5] =	wrdreg $0x9  }
0xb2: {  	_ =	task.clear_ibuf [dreg:s7], $0x6FFFF;
	_ =	strace $0x90000046  }
0xb3: {  	s29 =	simm.s32 $0x9;
	_ =	strace $0x80000048  }
0xb4: {  	_ =	swait.ge [sflag:s29], $0x1  }
0xb5: {  	[sflag:s29] =	ssyncadd.s32 $0xFFFFFFFF  }
0xb6: {  	_ =	strace $0x90000048  }
0xb7: {  	_ =	sfence  }
0xb8: {  	s30 =	sld [smem:$0x0];
	_ =	sdelay $0x2  }
0xb9: {  	s31 =	sshll.u32 s1, $0xD;
	s1 =	sshrl.u32 s1, $0x2  }
0xba: {  	s3 =	sand.u32 $0x4000, s31;
	s1 =	sadd.s32 s1, s30  }
0xbb: {  	s0 =	sor.u32 s3, s0;
	s1 =	sshll.u32 s1, $0x11  }
0xbc: {  	s0 =	sor.u32 s1, s0  }
0xbd: {  	s0 =	sadd.s32 $0x8F2B, s0  }
0xbe: {  	[sflag:s0] =	ssyncadd.remote.s32 $0x1  }
0xbf: {  	_ =	sfence.sel $0xFFFF  }
0xc0: {  	[dreg:$0x0] =	wrdreg $0xFFFFFFFF;
	(pc) =	sbr.abs _section_cstart, $3  }
0xc1: {  	[dreg:$0x1] =	wrdreg $0xFFFFFFFF  }
0xc2: {  	_ =	task.clear_ibuf [dreg:s7], $0x2FFFF;
	_ =	strace $0x9FFFFFFF  }
0xc3: {  	(tm) =	ssettm $0x7FFFFFFF  }
tec
execute0_lowered:
.L_overlay_start_1:
0x0: {  	(tag) =	ssettag $0x1  }
0x1: {  	s3 =	rddreg [dreg:$0x0]  }
0x2: {  	s0 =	srdreg.scid;
	s6 =	rddreg [dreg:$0x1]  }
0x3: {  	s5 =	rddreg [dreg:$0x2];
	s1 =	stileid.u32  }
0x4: {  	s2 =	simm.s32 $0x0;
	s12 =	simm.s32 $0x14000;
	s13 =	simm.s32 $0x3C00  }
0x5: {  	s14 =	simm.s32 $0x100;
	s4 =	sand.u32 $0x1, s0;
	s0 =	rddreg [dreg:$0x3]  }
0x6: {  	s15 =	simm.s32 $0x6400;
	s16 =	simm.s32 $0x0;
	[smem:$0x7FF] =	sst s2  }
0x7: {  	s10 =	sshrl.u32 s1, $0x3;
	s28 =	sshll.u32 s1, $0x7;
	s29 =	smul.u32 $0x500, s1  }
0x8: {  	s11 =	smul.u32 $0x5000, s1;
	s7 =	sshll.u32 s4, $0x4;
	_ =	strace $0x80000047  }
0x9: {  	s8 =	ssub.s32 $0x2, s4;
	s26 =	smul.u32 $0x50000, s10;
	s7 =	sor.u32 s1, s7  }
0xa: {  	s4 =	sshll.u32 s4, $0x7;
	s9 =	sshrl.u32 s8, $0x1;
	s7 =	smul.u32 $0x1400, s7  }
0xb: {  	s10 =	sor.u32 s4, s29;
	s30 =	sshrl.u32 s11, $0x2;
	s11 =	simm.s32 $0x400  }
0xc: {  	s8 =	ssub.s32 s8, s9;
	s9 =	sand.u32 $0x380, s28;
	s7 =	sshrl.u32 s7, $0x3  }
0xd: {  	s31 =	sshrl.u32 s10, $0x3;
	s3 =	sadd.s32 s3, s7;
	s7 =	sshrl.u32 s26, $0x2  }
0xe: {  	s10 =	simm.s32 $0x80;
	s6 =	sadd.s32 s6, s31;
	s7 =	sadd.s32 s7, s5  }
0xf: {  	s3 =	sadd.s32 $0x7400, s3;
	s5 =	sadd.s32 s30, s5;
	s4 =	sadd.s32 s9, s7  }
0x10: {  	v0 =	vimm.f32 $0.0e+00;
	v1 =	vimm.f32 $1.000000000e+00;
	s7 =	smax.u32 s8, $0x1;
	s8 =	simm.s32 $0x1;
	s9 =	simm.s32 $0x1400  }
.LBB2_1:
0x11: {  	[tilespmem:s2], [sflag:$0x1] =	stream.linear.gather [hbm4b:s3+s2], $0x1400, $0x38;
	[tilespmem:$0x8E80] =	vst v63  }
0x12: {  	_ =	swait.ge [sflag:s8], $0x1400  }
0x13: {  	[sflag:s8] =	ssyncset.done $0x0  }
0x14: {  	s17 =	simm.s32 $0x0;
	s18 =	simm.s32 $0x200;
	[sflag:s8] =	ssyncadd.s32 $0xFFFFEC00  }
.LBB2_2:
0x15: {  	p0 =	sne.s32 s18, $0x9E00;
	[tilespmem:s17+$0x1470] =	vst v0  }
0x16: {  	[tilespmem:s17+$0x1400] =	vst v0  }
0x17: {  	[tilespmem:s17+$0x1410] =	vst v0  }
.Ltmp0:
0x18: {  	[tilespmem:s17+$0x1420] =	vst v0;
	(pc) =	sbr.rel @p0 .LBB2_2-.Ltmp0, $4  }
0x19: {  	[tilespmem:s17+$0x1430] =	vst v0  }
0x1a: {  	[tilespmem:s17+$0x1440] =	vst v0  }
0x1b: {  	[tilespmem:s17+$0x1450] =	vst v0  }
0x1c: {  	[tilespmem:s17+$0x1460] =	vst v0;
	s17 =	sshra.s32 s18, $0x2;
	s18 =	sadd.s32 $0x200, s18  }
0x1d: {  	[tilespmem:s17+$0x1470] =	vst v0  }
0x1e: {  	[tilespmem:s17+$0x1400] =	vst v0  }
0x1f: {  	[tilespmem:s17+$0x1410] =	vst v0  }
0x20: {  	[tilespmem:s17+$0x1420] =	vst v0  }
0x21: {  	[tilespmem:s17+$0x1430] =	vst v0  }
0x22: {  	[tilespmem:s17+$0x1440] =	vst v0  }
0x23: {  	[tilespmem:s17+$0x1450] =	vst v0  }
0x24: {  	[tilespmem:s17+$0x1460] =	vst v0;
	s17 =	simm.s32 $0x0  }
.LBB2_4:
0x25: {  	s18 =	sshra.s32 s17, $0x2  }
0x26: {  	v2 =	vld [tilespmem:s18+$0x0];
	_ =	sdelay $0x7  }
0x27: {  	[tilespmem:v2+s9+$0x0] =	vst.idx.add.f32.msk $0xffff, v1  }
0x28: {  	v2 =	vld [tilespmem:s18+$0x10];
	_ =	sdelay $0x7  }
0x29: {  	[tilespmem:v2+s9+$0x0] =	vst.idx.add.f32.msk $0xffff, v1  }
0x2a: {  	v2 =	vld [tilespmem:s18+$0x20];
	_ =	sdelay $0x7  }
0x2b: {  	[tilespmem:v2+s9+$0x0] =	vst.idx.add.f32.msk $0xffff, v1  }
0x2c: {  	v2 =	vld [tilespmem:s18+$0x30];
	_ =	sdelay $0x7  }
0x2d: {  	[tilespmem:v2+s9+$0x0] =	vst.idx.add.f32.msk $0xffff, v1  }
0x2e: {  	v2 =	vld [tilespmem:s18+$0x40];
	_ =	sdelay $0x7  }
0x2f: {  	[tilespmem:v2+s9+$0x0] =	vst.idx.add.f32.msk $0xffff, v1  }
0x30: {  	v2 =	vld [tilespmem:s18+$0x50];
	_ =	sdelay $0x7  }
0x31: {  	[tilespmem:v2+s9+$0x0] =	vst.idx.add.f32.msk $0xffff, v1  }
0x32: {  	v2 =	vld [tilespmem:s18+$0x60];
	_ =	sdelay $0x7  }
0x33: {  	[tilespmem:v2+s9+$0x0] =	vst.idx.add.f32.msk $0xffff, v1  }
0x34: {  	v2 =	vld [tilespmem:s18+$0x70];
	_ =	sdelay $0x2  }
0x35: {  	p0 =	sne.s32 s17, $0x4E00  }
.Ltmp1:
0x36: {  	_ = 	snop;
	(pc) =	sbr.rel @p0 .LBB2_4-.Ltmp1, $2  }
0x37: {  	_ =	sdelay $0x2  }
0x38: {  	s17 =	sadd.s32 $0x200, s17;
	[tilespmem:v2+s9+$0x0] =	vst.idx.add.f32.msk $0xffff, v1  }
0x39: {  	[spmem:s4] =	stream.strided.scatter [tilespmem:s9], [sflag:$0x1], $0x2800, s11, s10, $0x38;
	[tilespmem:$0x8E80] =	vst v63  }
0x3a: {  	_ =	swait.ge [sflag:s8], $0x2800  }
0x3b: {  	[sflag:s8] =	ssyncset.done $0x0  }
0x3c: {  	[sflag:s8] =	ssyncadd.s32 $0xFFFFD800  }
0x3d: {  	[bflag:$0x0] =	sbarrier.arrive $0xFFFF  }
0x3e: {  	[tilespmem:s13], [sflag:$0x1] =	stream.strided.gather [spmem:s5], $0x2800, s12, s9, $0x38;
	[tilespmem:$0x8E80] =	vst v63  }
0x3f: {  	s17 =	simm.s32 $0x0;
	_ =	swait.ge [sflag:s8], $0x2800  }
0x40: {  	s18 =	sand.u32 $0x70, s17;
	s17 =	sand.u32 $0x1C00, s17;
	[sflag:s8] =	ssyncset.done $0x0  }
0x41: {  	s17 =	sor.u32 s18, s17;
	[sflag:s8] =	ssyncadd.s32 $0xFFFFD800  }
0x42: {  	v2 =	vld [tilespmem:s17+$0x3C00];
	_ =	sdelay $0x1  }
0x43: {  	v3 =	vld [tilespmem:s17+$0x3C80];
	_ =	sdelay $0x1  }
0x44: {  	v4 =	vld [tilespmem:s17+$0x3D00]  }
0x45: {  	v2 =	vadd.f32 $0.0e+00, v2  }
0x46: {  	v5 =	vld [tilespmem:s17+$0x3D80]  }
0x47: {  	v2 =	vadd.f32 v3, v2  }
0x48: {  	v3 =	vld [tilespmem:s17+$0x3E00]  }
0x49: {  	v2 =	vadd.f32 v4, v2  }
0x4a: {  	v56 =	vld [tilespmem:s17+$0x3E80]  }
0x4b: {  	v2 =	vadd.f32 v5, v2  }
0x4c: {  	v57 =	vld [tilespmem:s17+$0x3F00]  }
0x4d: {  	v2 =	vadd.f32 v3, v2  }
0x4e: {  	v3 =	vld [tilespmem:s17+$0x3F80]  }
0x4f: {  	v2 =	vadd.f32 v56, v2  }
0x50: {  	v58 =	vld [tilespmem:s17+$0x5000]  }
0x51: {  	v2 =	vadd.f32 v57, v2  }
0x52: {  	v59 =	vld [tilespmem:s17+$0x5080]  }
0x53: {  	v2 =	vadd.f32 v3, v2  }
0x54: {  	v3 =	vld [tilespmem:s17+$0x5100]  }
0x55: {  	v2 =	vadd.f32 v58, v2  }
0x56: {  	v60 =	vld [tilespmem:s17+$0x5180]  }
0x57: {  	v2 =	vadd.f32 v59, v2  }
0x58: {  	v61 =	vld [tilespmem:s17+$0x5200]  }
0x59: {  	v2 =	vadd.f32 v3, v2  }
0x5a: {  	v3 =	vld [tilespmem:s17+$0x5280]  }
0x5b: {  	v2 =	vadd.f32 v60, v2  }
0x5c: {  	v62 =	vld [tilespmem:s17+$0x5300]  }
0x5d: {  	v2 =	vadd.f32 v61, v2  }
0x5e: {  	v63 =	vld [tilespmem:s17+$0x5380]  }
0x5f: {  	v2 =	vadd.f32 v3, v2;
	_ =	sdelay $0x1  }
0x60: {  	v2 =	vadd.f32 v62, v2  }
0x61: {  	s19 =	simm.s32 $0x10  }
0x62: {  	s20 =	sand.u32 $0x70, s19;
	s18 =	simm.s32 $0x80;
	v2 =	vadd.f32 v63, v2  }
0x63: {  	s19 =	simm.s32 $0x20;
	s21 =	sand.u32 $0x1C00, s18;
	s17 =	simm.s32 $0x6400  }
.LBB2_6:
0x64: {  	p0 =	sne.s32 s19, $0x270;
	s20 =	sor.u32 s20, s21;
	[tilespmem:s17+$0x0] =	vst v2  }
0x65: {  	v2 =	vld [tilespmem:s20+$0x3C00];
	_ =	sdelay $0x1  }
0x66: {  	v3 =	vld [tilespmem:s20+$0x3C80];
	_ =	sdelay $0x1  }
0x67: {  	v4 =	vld [tilespmem:s20+$0x3D00]  }
0x68: {  	v2 =	vadd.f32 $0.0e+00, v2  }
0x69: {  	v5 =	vld [tilespmem:s20+$0x3D80]  }
0x6a: {  	v2 =	vadd.f32 v3, v2  }
0x6b: {  	v3 =	vld [tilespmem:s20+$0x3E00]  }
0x6c: {  	v2 =	vadd.f32 v4, v2  }
0x6d: {  	v4 =	vld [tilespmem:s20+$0x3E80]  }
0x6e: {  	v2 =	vadd.f32 v5, v2  }
0x6f: {  	v5 =	vld [tilespmem:s20+$0x3F00]  }
0x70: {  	v2 =	vadd.f32 v3, v2  }
0x71: {  	v3 =	vld [tilespmem:s20+$0x3F80]  }
0x72: {  	v2 =	vadd.f32 v4, v2  }
0x73: {  	v4 =	vld [tilespmem:s20+$0x5000]  }
0x74: {  	v2 =	vadd.f32 v5, v2  }
0x75: {  	v5 =	vld [tilespmem:s20+$0x5080]  }
0x76: {  	v2 =	vadd.f32 v3, v2  }
0x77: {  	v3 =	vld [tilespmem:s20+$0x5100]  }
0x78: {  	v2 =	vadd.f32 v4, v2  }
0x79: {  	v4 =	vld [tilespmem:s20+$0x5180]  }
0x7a: {  	v2 =	vadd.f32 v5, v2  }
0x7b: {  	v5 =	vld [tilespmem:s20+$0x5200]  }
0x7c: {  	v2 =	vadd.f32 v3, v2  }
0x7d: {  	v3 =	vld [tilespmem:s20+$0x5280]  }
0x7e: {  	v2 =	vadd.f32 v4, v2  }
0x7f: {  	v4 =	vld [tilespmem:s20+$0x5300]  }
0x80: {  	v2 =	vadd.f32 v5, v2  }
0x81: {  	v5 =	vld [tilespmem:s20+$0x5380]  }
0x82: {  	v2 =	vadd.f32 v3, v2  }
.Ltmp2:
0x83: {  	(pc) =	sbr.rel @p0 .LBB2_6-.Ltmp2, $3  }
0x84: {  	v2 =	vadd.f32 v4, v2;
	_ =	sdelay $0x1  }
0x85: {  	s18 =	sadd.s32 $0x80, s18;
	s17 =	sadd.s32 $0x10, s17;
	v2 =	vadd.f32 v5, v2  }
0x86: {  	s21 =	sand.u32 $0x1C00, s18;
	s20 =	sand.u32 $0x70, s19;
	s19 =	sadd.s32 $0x10, s19  }
0x87: {  	s18 =	sor.u32 s20, s21;
	[tilespmem:s17+$0x0] =	vst v2  }
0x88: {  	v2 =	vld [tilespmem:s18+$0x3C00];
	_ =	sdelay $0x1  }
0x89: {  	v3 =	vld [tilespmem:s18+$0x3C80];
	_ =	sdelay $0x1  }
0x8a: {  	v4 =	vld [tilespmem:s18+$0x3D00]  }
0x8b: {  	v2 =	vadd.f32 $0.0e+00, v2  }
0x8c: {  	v5 =	vld [tilespmem:s18+$0x3D80]  }
0x8d: {  	v2 =	vadd.f32 v3, v2  }
0x8e: {  	v3 =	vld [tilespmem:s18+$0x3E00]  }
0x8f: {  	v2 =	vadd.f32 v4, v2  }
0x90: {  	v56 =	vld [tilespmem:s18+$0x3E80]  }
0x91: {  	v2 =	vadd.f32 v5, v2  }
0x92: {  	v57 =	vld [tilespmem:s18+$0x3F00]  }
0x93: {  	v2 =	vadd.f32 v3, v2  }
0x94: {  	v3 =	vld [tilespmem:s18+$0x3F80]  }
0x95: {  	v2 =	vadd.f32 v56, v2  }
0x96: {  	v58 =	vld [tilespmem:s18+$0x5000]  }
0x97: {  	v2 =	vadd.f32 v57, v2  }
0x98: {  	v59 =	vld [tilespmem:s18+$0x5080]  }
0x99: {  	v2 =	vadd.f32 v3, v2  }
0x9a: {  	v3 =	vld [tilespmem:s18+$0x5100]  }
0x9b: {  	v2 =	vadd.f32 v58, v2  }
0x9c: {  	v60 =	vld [tilespmem:s18+$0x5180]  }
0x9d: {  	v2 =	vadd.f32 v59, v2  }
0x9e: {  	v61 =	vld [tilespmem:s18+$0x5200]  }
0x9f: {  	v2 =	vadd.f32 v3, v2  }
0xa0: {  	v3 =	vld [tilespmem:s18+$0x5280]  }
0xa1: {  	v2 =	vadd.f32 v60, v2  }
0xa2: {  	v62 =	vld [tilespmem:s18+$0x5300]  }
0xa3: {  	v2 =	vadd.f32 v61, v2  }
0xa4: {  	v63 =	vld [tilespmem:s18+$0x5380]  }
0xa5: {  	v2 =	vadd.f32 v3, v2;
	_ =	sdelay $0x1  }
0xa6: {  	v2 =	vadd.f32 v62, v2;
	_ =	sdelay $0x1  }
0xa7: {  	s16 =	sadd.s32 $0x1, s16;
	v2 =	vadd.f32 v63, v2  }
0xa8: {  	s31 =	sadd.s32 $0x10, s17;
	p0 =	sne.s32 s16, s7  }
.Ltmp3:
0xa9: {  	[tilespmem:s31+$0x0] =	vst v2;
	(pc) =	sbr.rel @p0 .LBB2_1-.Ltmp3, $4  }
0xaa: {  	[hbm4b:s6+s10] =	stream.strided.scatter [tilespmem:s15], [sflag:$0x1], $0x280, s14, s10, $0x38;
	[tilespmem:$0x8E80] =	vst v63  }
0xab: {  	_ =	swait.ge [sflag:s8], $0x280  }
0xac: {  	[sflag:s8] =	ssyncset.done $0x0  }
0xad: {  	[sflag:s8] =	ssyncadd.s32 $0xFFFFFD80  }
0xae: {  	_ =	sfence.sel $0x180000  }
0xaf: {  	[bflag:$0x0] =	sbarrier.arrive $0xFFFF  }
0xb0: {  	p0 =	sne.s32 s1, $0x0;
	_ =	strace $0x90000047  }
0xb1: {  	s0 =	sadd.s32 @!p0 $0x100000, s0;
	[bflag:$0x2] =	sbarrier.arrive $0xFFFF  }
0xb2: {  	[sflag:s0] =	ssyncadd.tile.s32 @!p0 $0x1;
	_ =	shalt  }
.Lfunc_end2:
_tile_overlayer_lowered:
.L_overlay_start_2:
0xb3: {  	(tag) =	ssettag $0x2  }
0xb4: {  	s0 =	rddreg [dreg:$0x0];
	s2 =	stileid.u32  }
0xb5: {  	s1 =	rddreg [dreg:$0x1];
	p0 =	sne.s32 s2, $0x0  }
0xb6: {  	s3 =	rddreg [dreg:$0x2];
	[bflag:$0x3] =	sbarrier.arrive $0xFFFF;
	s2 =	simm.s32 @!p0 $0x1C01  }
0xb7: {  	[timem:s3], [sflag:s2] =	dma.local @!p0 [hbm:s0], s1  }
0xb8: {  	s0 =	simm.s32 @!p0 $0x1  }
0xb9: {  	_ =	swait.ge @!p0 [sflag:s0], s1  }
0xba: {  	s1 =	ssub.s32 @!p0 $0x0, s1;
	[sflag:s0] =	ssyncset.done @!p0 $0x0  }
0xbb: {  	[sflag:s0] =	ssyncadd.s32 @!p0 s1  }
0xbc: {  	[bflag:$0x3] =	sbarrier.arrive $0xFFFF  }
0xbd: {  	_ =	shalt  }

</sc_bundles>
